<compile_context>
chip_gen: v7x
topology: tpu7x:2x2x1
jax: 0.10.2.dev20260603
libtpu: 0.0.44.dev20260713+nightly
codegen_flags: <defaults>
</compile_context>

<pallas_src>
import functools
import math

import jax
import jax.numpy as jnp
from jax import lax
from jax.experimental import pallas as pl
from jax.experimental.pallas import tpu as pltpu
from jax.experimental.pallas import tpu_sc as plsc

D_MODEL = 1024
SCALE = math.sqrt(D_MODEL)
NC, NS, LANES = 2, 16, 16
NW = NC * NS
FIRST = 16
CHUNK = 24
NBUF = 4


def _scale_rows(ref, nb, n_rows):
    @plsc.parallel_loop(0, n_rows)
    def row_body(r):
        @plsc.parallel_loop(0, D_MODEL, LANES, unroll=8)
        def col_body(v):
            sl = pl.ds(v, LANES)
            if nb is None:
                ref[r, sl] = ref[r, sl] * SCALE
            else:
                ref[nb, r, sl] = ref[nb, r, sl] * SCALE


def _embed_kernel(n_per_w, seq_len, table_hbm, x_hbm, out_hbm, idx_v,
                  first_v, rows_v, gsem0, wsem0, gsem, wsem):
    wid = lax.axis_index("s") * NC + lax.axis_index("c")
    base = wid * n_per_w
    w_per_row = seq_len // n_per_w
    b = wid // w_per_row
    off = (wid % w_per_row) * n_per_w

    n_ring = (n_per_w - FIRST) // CHUNK

    def gather(c, nb):
        start = pl.multiple_of(FIRST + c * CHUNK, 8)
        pltpu.async_copy(
            table_hbm.at[idx_v.at[pl.ds(start, CHUNK)]],
            rows_v.at[nb], gsem.at[nb])

    def wait_gather(nb):
        pltpu.make_async_copy(
            table_hbm.at[idx_v.at[pl.ds(0, CHUNK)]],
            rows_v.at[nb], gsem.at[nb]).wait()

    def writeback(c, nb):
        start = pl.multiple_of(base + FIRST + c * CHUNK, 8)
        pltpu.async_copy(
            rows_v.at[nb], out_hbm.at[pl.ds(start, CHUNK)],
            wsem.at[nb])

    def wait_writeback(c, nb):
        start = pl.multiple_of(base + FIRST + c * CHUNK, 8)
        pltpu.make_async_copy(
            rows_v.at[nb], out_hbm.at[pl.ds(start, CHUNK)],
            wsem.at[nb]).wait()

    hw = n_per_w // 2
    pltpu.sync_copy(x_hbm.at[b, pl.ds(off, hw)], idx_v.at[pl.ds(0, hw)])
    pltpu.async_copy(
        table_hbm.at[idx_v.at[pl.ds(0, FIRST)]], first_v, gsem0)
    for c in range(NBUF - 1):
        gather(c, c)
    pltpu.sync_copy(x_hbm.at[b, pl.ds(off + hw, hw)],
                    idx_v.at[pl.ds(hw, hw)])

    pltpu.make_async_copy(
        table_hbm.at[idx_v.at[pl.ds(0, FIRST)]], first_v, gsem0).wait()
    _scale_rows(first_v, None, FIRST)
    pltpu.async_copy(first_v, out_hbm.at[pl.ds(base, FIRST)], wsem0)

    def chunk_body(c, _):
        nb = lax.rem(c, NBUF)
        pb = lax.rem(c + NBUF - 1, NBUF)
        prefetch = c + NBUF - 1 < n_ring

        @pl.when(jnp.logical_and(c >= 1, prefetch))
        def _():
            wait_writeback(c - 1, pb)

        @pl.when(prefetch)
        def _():
            gather(c + NBUF - 1, pb)

        wait_gather(nb)
        _scale_rows(rows_v, nb, CHUNK)
        writeback(c, nb)
        return 0

    lax.fori_loop(0, n_ring, chunk_body, 0)

    pltpu.make_async_copy(
        first_v, out_hbm.at[pl.ds(base, FIRST)], wsem0).wait()
    for c in range(n_ring - NBUF, n_ring):
        wait_writeback(c, c % NBUF)


@jax.jit
def kernel(x, table):
    B, L = x.shape
    n = B * L
    n_per_w = n // NW

    mesh = plsc.VectorSubcoreMesh(
        core_axis_name="c", subcore_axis_name="s", num_cores=NC, num_subcores=NS
    )
    out = pl.kernel(
        functools.partial(_embed_kernel, n_per_w, L),
        out_type=jax.ShapeDtypeStruct((n, D_MODEL), jnp.float32),
        mesh=mesh,
        scratch_types=[
            pltpu.VMEM((n_per_w,), jnp.int32),
            pltpu.VMEM((FIRST, D_MODEL), jnp.float32),
            pltpu.VMEM((NBUF, CHUNK, D_MODEL), jnp.float32),
            pltpu.SemaphoreType.DMA,
            pltpu.SemaphoreType.DMA,
            pltpu.SemaphoreType.DMA((NBUF,)),
            pltpu.SemaphoreType.DMA((NBUF,)),
        ],
    )(table, x.astype(jnp.int32))
    return out.reshape(B, L, D_MODEL)

# --- scband reference (transcript-rebuilt; emitter-appended) ---
"""Pipeline reference for scband-input-embedding-78065325572511 (READ-ONLY COPY).

The authoritative reference and input builder live on the scoring server;
editing this copy changes nothing except your own understanding.
"""

import jax, jax.numpy as jnp
import numpy as np
import math

VOCAB = 100000
D_MODEL = 1024
B, L = 4, 2048

def setup_inputs(seed: int = 0) -> dict:
    key = jax.random.key(seed)
    k1, k2 = jax.random.split(key)
    x = jax.random.randint(k1, (B, L), 0, VOCAB, dtype=jnp.int64 if jax.config.jax_enable_x64 else jnp.int32)
    table = jax.random.normal(k2, (VOCAB, D_MODEL), dtype=jnp.float32)
    return {"x": x, "table": table}

def reference(x, table):
    # token embedding lookup scaled by sqrt(d_model); dropout is identity in eval mode
    emb = jnp.take(table, x, axis=0)
    return emb * math.sqrt(D_MODEL)

if __name__ == "__main__":
    import jax
    _d = setup_inputs()
    print(jax.jit(kernel)(*tuple(_d.values())))

</pallas_src>

<mosaic_0001>
#map = affine_map<(d0, d1) -> (0, 0)>
module attributes {stable_mosaic.version = 14 : i64} {
  func.func @_embed_kernel(%arg0: i32, %arg1: i32, %arg2: memref<100000x1024xf32, #tpu.memory_space<hbm>>, %arg3: memref<4x2048xi32, #tpu.memory_space<hbm>>, %arg4: memref<8192x1024xf32, #tpu.memory_space<hbm>>, %arg5: memref<256xi32, #tpu.memory_space<vmem>>, %arg6: memref<16x1024xf32, #tpu.memory_space<vmem>>, %arg7: memref<4x24x1024xf32, #tpu.memory_space<vmem>>, %arg8: memref<!tpu.dma_semaphore, #tpu.memory_space<semaphore_mem>>, %arg9: memref<!tpu.dma_semaphore, #tpu.memory_space<semaphore_mem>>, %arg10: memref<4x!tpu.dma_semaphore, #tpu.memory_space<semaphore_mem>>, %arg11: memref<4x!tpu.dma_semaphore, #tpu.memory_space<semaphore_mem>>) attributes {dimension_semantics = [#tpu.dimension_semantics<core_parallel>, #tpu.dimension_semantics<subcore_parallel>], iteration_bounds = array<i64: 2, 16>, scalar_prefetch = 0 : i64, scratch_operands = 7 : i64, tpu.core_type = #tpu.core_type<sc_vector_subcore>, window_params = [{transform_indices = #map}, {transform_indices = #map}, {transform_indices = #map}]} {
    %mul3A = arith.constant 2 : i32
    %mul3A_0 = arith.muli %arg1, %mul3A : i32
    %add3A = arith.addi %mul3A_0, %arg0 : i32
    %mul3A_1 = arith.constant 256 : i32
    %mul3A_2 = arith.muli %add3A, %mul3A_1 : i32
    %jit3A = arith.constant 8 : i32
    %div3A = arith.divsi %add3A, %jit3A : i32
    %sign3A = arith.constant 0 : i32
    %sign3A_3 = arith.cmpi sgt, %add3A, %sign3A : i32
    %sign3A_4 = arith.extui %sign3A_3 : i1 to i32
    %sign3A_5 = arith.constant 0 : i32
    %sign3A_6 = arith.cmpi slt, %add3A, %sign3A_5 : i32
    %sign3A_7 = arith.extui %sign3A_6 : i1 to i32
    %sign3A_8 = arith.subi %sign3A_4, %sign3A_7 : i32
    %sign3A_9 = arith.constant 0 : i32
    %sign3A_10 = arith.cmpi sgt, %jit3A, %sign3A_9 : i32
    %sign3A_11 = arith.extui %sign3A_10 : i1 to i32
    %sign3A_12 = arith.constant 0 : i32
    %sign3A_13 = arith.cmpi slt, %jit3A, %sign3A_12 : i32
    %sign3A_14 = arith.extui %sign3A_13 : i1 to i32
    %sign3A_15 = arith.subi %sign3A_11, %sign3A_14 : i32
    %ne3A = arith.cmpi ne, %sign3A_8, %sign3A_15 : i32
    %rem3A = arith.remsi %add3A, %jit3A : i32
    %ne3A_16 = arith.constant 0 : i32
    %ne3A_17 = arith.cmpi ne, %rem3A, %ne3A_16 : i32
    %and3A = arith.andi %ne3A, %ne3A_17 : i1
    %sub3A = arith.constant 1 : i32
    %sub3A_18 = arith.subi %div3A, %sub3A : i32
    %select_n3A = arith.select %and3A, %sub3A_18, %div3A : i32
    %jit3A_19 = arith.constant 8 : i32
    %eq3A = arith.constant 0 : i32
    %eq3A_20 = arith.cmpi eq, %jit3A_19, %eq3A : i32
    %jit3A_21 = arith.constant 1 : i32
    %select_n3A_22 = arith.select %eq3A_20, %jit3A_21, %jit3A_19 : i32
    %rem3A_23 = arith.remsi %add3A, %select_n3A_22 : i32
    %ne3A_24 = arith.constant 0 : i32
    %ne3A_25 = arith.cmpi ne, %rem3A_23, %ne3A_24 : i32
    %lt3A = arith.constant 0 : i32
    %lt3A_26 = arith.cmpi slt, %rem3A_23, %lt3A : i32
    %lt3A_27 = arith.constant 0 : i32
    %lt3A_28 = arith.cmpi slt, %select_n3A_22, %lt3A_27 : i32
    %ne3A_29 = arith.xori %lt3A_26, %lt3A_28 : i1
    %and3A_30 = arith.andi %ne3A_29, %ne3A_25 : i1
    %add3A_31 = arith.addi %rem3A_23, %select_n3A_22 : i32
    %select_n3A_32 = arith.select %and3A_30, %add3A_31, %rem3A_23 : i32
    %mul3A_33 = arith.constant 256 : i32
    %mul3A_34 = arith.muli %select_n3A_32, %mul3A_33 : i32
    "tpu.region"() ({
      %run_scoped3A = tpu.sem_alloc : memref<!tpu.dma_semaphore, #tpu.memory_space<semaphore_mem>>
      %dma_start3A_186 = arith.constant 0 : i32
      %dma_start3A_187 = tpu.memref_slice %arg5[%dma_start3A_186] : memref<256xi32, #tpu.memory_space<vmem>> -> memref<128xi32, #tpu.memory_space<vmem>>
      %dma_start3A_188 = tpu.memref_slice %arg3[%select_n3A, %mul3A_34] : memref<4x2048xi32, #tpu.memory_space<hbm>> -> memref<1x128xi32, #tpu.memory_space<hbm>>
      %dma_start3A_189 = tpu.memref_squeeze %dma_start3A_188 : memref<1x128xi32, #tpu.memory_space<hbm>> -> memref<128xi32, #tpu.memory_space<hbm>>
      %dma_start3A_190 = arith.constant 0 : i32
      %dma_start3A_191 = tpu.memref_slice %arg5[%dma_start3A_190] : memref<256xi32, #tpu.memory_space<vmem>> -> memref<128xi32, #tpu.memory_space<vmem>>
      %dma_start3A_192 = tpu.memref_slice %arg3[%select_n3A, %mul3A_34] : memref<4x2048xi32, #tpu.memory_space<hbm>> -> memref<1x128xi32, #tpu.memory_space<hbm>>
      %dma_start3A_193 = tpu.memref_squeeze %dma_start3A_192 : memref<1x128xi32, #tpu.memory_space<hbm>> -> memref<128xi32, #tpu.memory_space<hbm>>
      tpu.enqueue_dma source(%dma_start3A_193 : memref<128xi32, #tpu.memory_space<hbm>>) target(%dma_start3A_191 : memref<128xi32, #tpu.memory_space<vmem>>) target_semaphore(%run_scoped3A : memref<!tpu.dma_semaphore, #tpu.memory_space<semaphore_mem>>)
      %dma_wait3A_194 = arith.constant 0 : i32
      %dma_wait3A_195 = tpu.memref_slice %arg5[%dma_wait3A_194] : memref<256xi32, #tpu.memory_space<vmem>> -> memref<128xi32, #tpu.memory_space<vmem>>
      %dma_wait3A_196 = tpu.memref_slice %arg3[%select_n3A, %mul3A_34] : memref<4x2048xi32, #tpu.memory_space<hbm>> -> memref<1x128xi32, #tpu.memory_space<hbm>>
      %dma_wait3A_197 = tpu.memref_squeeze %dma_wait3A_196 : memref<1x128xi32, #tpu.memory_space<hbm>> -> memref<128xi32, #tpu.memory_space<hbm>>
      %dma_wait3A_198 = arith.constant 0 : i32
      %dma_wait3A_199 = tpu.memref_slice %arg5[%dma_wait3A_198] : memref<256xi32, #tpu.memory_space<vmem>> -> memref<128xi32, #tpu.memory_space<vmem>>
      %dma_wait3A_200 = tpu.memref_slice %arg3[%select_n3A, %mul3A_34] : memref<4x2048xi32, #tpu.memory_space<hbm>> -> memref<1x128xi32, #tpu.memory_space<hbm>>
      %dma_wait3A_201 = tpu.memref_squeeze %dma_wait3A_200 : memref<1x128xi32, #tpu.memory_space<hbm>> -> memref<128xi32, #tpu.memory_space<hbm>>
      tpu.wait_dma2 semaphore(%run_scoped3A : memref<!tpu.dma_semaphore, #tpu.memory_space<semaphore_mem>>) src(%dma_wait3A_201 : memref<128xi32, #tpu.memory_space<hbm>>) dst(%dma_wait3A_199 : memref<128xi32, #tpu.memory_space<vmem>>)
      tpu.yield
    }) : () -> ()
    %dma_start3A = arith.constant 0 : i32
    %dma_start3A_35 = tpu.memref_slice %arg5[%dma_start3A] : memref<256xi32, #tpu.memory_space<vmem>> -> memref<16xi32, #tpu.memory_space<vmem>>
    %dma_start3A_36 = arith.constant 0 : i32
    %dma_start3A_37 = arith.constant 0 : i32
    %dma_start3A_38 = tpu.memref_slice %arg2[%dma_start3A_36, %dma_start3A_37] : memref<100000x1024xf32, #tpu.memory_space<hbm>> -> memref<100000x1024xf32, #tpu.memory_space<hbm>>
    tpu.enqueue_indirect_dma source(%dma_start3A_38 : memref<100000x1024xf32, #tpu.memory_space<hbm>>) target(%arg6 : memref<16x1024xf32, #tpu.memory_space<vmem>>) offsets(%dma_start3A_35 : memref<16xi32, #tpu.memory_space<vmem>>) semaphore(%arg8 : memref<!tpu.dma_semaphore, #tpu.memory_space<semaphore_mem>>)
    %multiple_of3A = arith.constant 16 : i32
    %multiple_of3A_39 = tpu.assume_multiple %multiple_of3A, 8 : i32
    %dma_start3A_40 = arith.constant 0 : i32
    %dma_start3A_41 = arith.constant 0 : i32
    %dma_start3A_42 = arith.constant 0 : i32
    %dma_start3A_43 = arith.constant 0 : i32
    %dma_start3A_44 = tpu.memref_slice %arg7[%dma_start3A_40, %dma_start3A_42, %dma_start3A_43] : memref<4x24x1024xf32, #tpu.memory_space<vmem>> -> memref<1x24x1024xf32, #tpu.memory_space<vmem>>
    %dma_start3A_45 = tpu.memref_squeeze %dma_start3A_44 : memref<1x24x1024xf32, #tpu.memory_space<vmem>> -> memref<24x1024xf32, #tpu.memory_space<vmem>>
    %dma_start3A_46 = tpu.memref_slice %arg5[%multiple_of3A_39] : memref<256xi32, #tpu.memory_space<vmem>> -> memref<24xi32, #tpu.memory_space<vmem>>
    %dma_start3A_47 = arith.constant 0 : i32
    %dma_start3A_48 = arith.constant 0 : i32
    %dma_start3A_49 = tpu.memref_slice %arg2[%dma_start3A_47, %dma_start3A_48] : memref<100000x1024xf32, #tpu.memory_space<hbm>> -> memref<100000x1024xf32, #tpu.memory_space<hbm>>
    %dma_start3A_50 = tpu.memref_slice %arg10[%dma_start3A_41] : memref<4x!tpu.dma_semaphore, #tpu.memory_space<semaphore_mem>> -> memref<1x!tpu.dma_semaphore, #tpu.memory_space<semaphore_mem>>
    %dma_start3A_51 = tpu.memref_squeeze %dma_start3A_50 : memref<1x!tpu.dma_semaphore, #tpu.memory_space<semaphore_mem>> -> memref<!tpu.dma_semaphore, #tpu.memory_space<semaphore_mem>>
    tpu.enqueue_indirect_dma source(%dma_start3A_49 : memref<100000x1024xf32, #tpu.memory_space<hbm>>) target(%dma_start3A_45 : memref<24x1024xf32, #tpu.memory_space<vmem>>) offsets(%dma_start3A_46 : memref<24xi32, #tpu.memory_space<vmem>>) semaphore(%dma_start3A_51 : memref<!tpu.dma_semaphore, #tpu.memory_space<semaphore_mem>>)
    %multiple_of3A_52 = arith.constant 40 : i32
    %multiple_of3A_53 = tpu.assume_multiple %multiple_of3A_52, 8 : i32
    %dma_start3A_54 = arith.constant 1 : i32
    %dma_start3A_55 = arith.constant 1 : i32
    %dma_start3A_56 = arith.constant 0 : i32
    %dma_start3A_57 = arith.constant 0 : i32
    %dma_start3A_58 = tpu.memref_slice %arg7[%dma_start3A_54, %dma_start3A_56, %dma_start3A_57] : memref<4x24x1024xf32, #tpu.memory_space<vmem>> -> memref<1x24x1024xf32, #tpu.memory_space<vmem>>
    %dma_start3A_59 = tpu.memref_squeeze %dma_start3A_58 : memref<1x24x1024xf32, #tpu.memory_space<vmem>> -> memref<24x1024xf32, #tpu.memory_space<vmem>>
    %dma_start3A_60 = tpu.memref_slice %arg5[%multiple_of3A_53] : memref<256xi32, #tpu.memory_space<vmem>> -> memref<24xi32, #tpu.memory_space<vmem>>
    %dma_start3A_61 = arith.constant 0 : i32
    %dma_start3A_62 = arith.constant 0 : i32
    %dma_start3A_63 = tpu.memref_slice %arg2[%dma_start3A_61, %dma_start3A_62] : memref<100000x1024xf32, #tpu.memory_space<hbm>> -> memref<100000x1024xf32, #tpu.memory_space<hbm>>
    %dma_start3A_64 = tpu.memref_slice %arg10[%dma_start3A_55] : memref<4x!tpu.dma_semaphore, #tpu.memory_space<semaphore_mem>> -> memref<1x!tpu.dma_semaphore, #tpu.memory_space<semaphore_mem>>
    %dma_start3A_65 = tpu.memref_squeeze %dma_start3A_64 : memref<1x!tpu.dma_semaphore, #tpu.memory_space<semaphore_mem>> -> memref<!tpu.dma_semaphore, #tpu.memory_space<semaphore_mem>>
    tpu.enqueue_indirect_dma source(%dma_start3A_63 : memref<100000x1024xf32, #tpu.memory_space<hbm>>) target(%dma_start3A_59 : memref<24x1024xf32, #tpu.memory_space<vmem>>) offsets(%dma_start3A_60 : memref<24xi32, #tpu.memory_space<vmem>>) semaphore(%dma_start3A_65 : memref<!tpu.dma_semaphore, #tpu.memory_space<semaphore_mem>>)
    %multiple_of3A_66 = arith.constant 64 : i32
    %multiple_of3A_67 = tpu.assume_multiple %multiple_of3A_66, 8 : i32
    %dma_start3A_68 = arith.constant 2 : i32
    %dma_start3A_69 = arith.constant 2 : i32
    %dma_start3A_70 = arith.constant 0 : i32
    %dma_start3A_71 = arith.constant 0 : i32
    %dma_start3A_72 = tpu.memref_slice %arg7[%dma_start3A_68, %dma_start3A_70, %dma_start3A_71] : memref<4x24x1024xf32, #tpu.memory_space<vmem>> -> memref<1x24x1024xf32, #tpu.memory_space<vmem>>
    %dma_start3A_73 = tpu.memref_squeeze %dma_start3A_72 : memref<1x24x1024xf32, #tpu.memory_space<vmem>> -> memref<24x1024xf32, #tpu.memory_space<vmem>>
    %dma_start3A_74 = tpu.memref_slice %arg5[%multiple_of3A_67] : memref<256xi32, #tpu.memory_space<vmem>> -> memref<24xi32, #tpu.memory_space<vmem>>
    %dma_start3A_75 = arith.constant 0 : i32
    %dma_start3A_76 = arith.constant 0 : i32
    %dma_start3A_77 = tpu.memref_slice %arg2[%dma_start3A_75, %dma_start3A_76] : memref<100000x1024xf32, #tpu.memory_space<hbm>> -> memref<100000x1024xf32, #tpu.memory_space<hbm>>
    %dma_start3A_78 = tpu.memref_slice %arg10[%dma_start3A_69] : memref<4x!tpu.dma_semaphore, #tpu.memory_space<semaphore_mem>> -> memref<1x!tpu.dma_semaphore, #tpu.memory_space<semaphore_mem>>
    %dma_start3A_79 = tpu.memref_squeeze %dma_start3A_78 : memref<1x!tpu.dma_semaphore, #tpu.memory_space<semaphore_mem>> -> memref<!tpu.dma_semaphore, #tpu.memory_space<semaphore_mem>>
    tpu.enqueue_indirect_dma source(%dma_start3A_77 : memref<100000x1024xf32, #tpu.memory_space<hbm>>) target(%dma_start3A_73 : memref<24x1024xf32, #tpu.memory_space<vmem>>) offsets(%dma_start3A_74 : memref<24xi32, #tpu.memory_space<vmem>>) semaphore(%dma_start3A_79 : memref<!tpu.dma_semaphore, #tpu.memory_space<semaphore_mem>>)
    %add3A_80 = arith.constant 128 : i32
    %add3A_81 = arith.addi %mul3A_34, %add3A_80 : i32
    "tpu.region"() ({
      %run_scoped3A = tpu.sem_alloc : memref<!tpu.dma_semaphore, #tpu.memory_space<semaphore_mem>>
      %dma_start3A_186 = arith.constant 128 : i32
      %dma_start3A_187 = tpu.memref_slice %arg5[%dma_start3A_186] : memref<256xi32, #tpu.memory_space<vmem>> -> memref<128xi32, #tpu.memory_space<vmem>>
      %dma_start3A_188 = tpu.memref_slice %arg3[%select_n3A, %add3A_81] : memref<4x2048xi32, #tpu.memory_space<hbm>> -> memref<1x128xi32, #tpu.memory_space<hbm>>
      %dma_start3A_189 = tpu.memref_squeeze %dma_start3A_188 : memref<1x128xi32, #tpu.memory_space<hbm>> -> memref<128xi32, #tpu.memory_space<hbm>>
      %dma_start3A_190 = arith.constant 128 : i32
      %dma_start3A_191 = tpu.memref_slice %arg5[%dma_start3A_190] : memref<256xi32, #tpu.memory_space<vmem>> -> memref<128xi32, #tpu.memory_space<vmem>>
      %dma_start3A_192 = tpu.memref_slice %arg3[%select_n3A, %add3A_81] : memref<4x2048xi32, #tpu.memory_space<hbm>> -> memref<1x128xi32, #tpu.memory_space<hbm>>
      %dma_start3A_193 = tpu.memref_squeeze %dma_start3A_192 : memref<1x128xi32, #tpu.memory_space<hbm>> -> memref<128xi32, #tpu.memory_space<hbm>>
      tpu.enqueue_dma source(%dma_start3A_193 : memref<128xi32, #tpu.memory_space<hbm>>) target(%dma_start3A_191 : memref<128xi32, #tpu.memory_space<vmem>>) target_semaphore(%run_scoped3A : memref<!tpu.dma_semaphore, #tpu.memory_space<semaphore_mem>>)
      %dma_wait3A_194 = arith.constant 128 : i32
      %dma_wait3A_195 = tpu.memref_slice %arg5[%dma_wait3A_194] : memref<256xi32, #tpu.memory_space<vmem>> -> memref<128xi32, #tpu.memory_space<vmem>>
      %dma_wait3A_196 = tpu.memref_slice %arg3[%select_n3A, %add3A_81] : memref<4x2048xi32, #tpu.memory_space<hbm>> -> memref<1x128xi32, #tpu.memory_space<hbm>>
      %dma_wait3A_197 = tpu.memref_squeeze %dma_wait3A_196 : memref<1x128xi32, #tpu.memory_space<hbm>> -> memref<128xi32, #tpu.memory_space<hbm>>
      %dma_wait3A_198 = arith.constant 128 : i32
      %dma_wait3A_199 = tpu.memref_slice %arg5[%dma_wait3A_198] : memref<256xi32, #tpu.memory_space<vmem>> -> memref<128xi32, #tpu.memory_space<vmem>>
      %dma_wait3A_200 = tpu.memref_slice %arg3[%select_n3A, %add3A_81] : memref<4x2048xi32, #tpu.memory_space<hbm>> -> memref<1x128xi32, #tpu.memory_space<hbm>>
      %dma_wait3A_201 = tpu.memref_squeeze %dma_wait3A_200 : memref<1x128xi32, #tpu.memory_space<hbm>> -> memref<128xi32, #tpu.memory_space<hbm>>
      tpu.wait_dma2 semaphore(%run_scoped3A : memref<!tpu.dma_semaphore, #tpu.memory_space<semaphore_mem>>) src(%dma_wait3A_201 : memref<128xi32, #tpu.memory_space<hbm>>) dst(%dma_wait3A_199 : memref<128xi32, #tpu.memory_space<vmem>>)
      tpu.yield
    }) : () -> ()
    %dma_wait3A = arith.constant 0 : i32
    %dma_wait3A_82 = tpu.memref_slice %arg5[%dma_wait3A] : memref<256xi32, #tpu.memory_space<vmem>> -> memref<16xi32, #tpu.memory_space<vmem>>
    %dma_wait3A_83 = arith.constant 0 : i32
    %dma_wait3A_84 = arith.constant 0 : i32
    %dma_wait3A_85 = tpu.memref_slice %arg2[%dma_wait3A_83, %dma_wait3A_84] : memref<100000x1024xf32, #tpu.memory_space<hbm>> -> memref<100000x1024xf32, #tpu.memory_space<hbm>>
    tpu.wait_indirect_dma semaphore(%arg8 : memref<!tpu.dma_semaphore, #tpu.memory_space<semaphore_mem>>) src(%dma_wait3A_85 : memref<100000x1024xf32, #tpu.memory_space<hbm>>) dst(%arg6 : memref<16x1024xf32, #tpu.memory_space<vmem>>)
    %parallel_loop3A = arith.constant 0 : i32
    %parallel_loop3A_86 = arith.constant 16 : i32
    %parallel_loop3A_87 = arith.constant 1 : i32
    scf.for %parallel_loop3A_186 = %parallel_loop3A to %parallel_loop3A_86 step %parallel_loop3A_87  : i32 {
      %parallel_loop3A_187 = arith.constant 0 : i32
      %parallel_loop3A_188 = arith.constant 1024 : i32
      %parallel_loop3A_189 = arith.constant 16 : i32
      scf.for %parallel_loop3A_190 = %parallel_loop3A_187 to %parallel_loop3A_188 step %parallel_loop3A_189  : i32 {
        %parallel_loop3A_191 = arith.index_cast %parallel_loop3A_186 : i32 to index
        %parallel_loop3A_192 = arith.index_cast %parallel_loop3A_190 : i32 to index
        %parallel_loop3A_193 = tpu.vector_load %arg6[%parallel_loop3A_191, %parallel_loop3A_192] {strides = array<i32>} : memref<16x1024xf32, #tpu.memory_space<vmem>>, vector<1x16xf32>,
        %parallel_loop3A_194 = vector.shape_cast %parallel_loop3A_193 : vector<1x16xf32> to vector<16xf32>
        %parallel_loop3A_195 = arith.constant 3.200000e+01 : f32
        %parallel_loop3A_196 = vector.broadcast %parallel_loop3A_195 : f32 to vector<16xf32>
        %parallel_loop3A_197 = arith.mulf %parallel_loop3A_194, %parallel_loop3A_196 : vector<16xf32>
        %parallel_loop3A_198 = arith.index_cast %parallel_loop3A_186 : i32 to index
        %parallel_loop3A_199 = arith.index_cast %parallel_loop3A_190 : i32 to index
        %parallel_loop3A_200 = tpu.vector_load %arg6[%parallel_loop3A_198, %parallel_loop3A_199] {strides = array<i32>} : memref<16x1024xf32, #tpu.memory_space<vmem>>, vector<1x16xf32>,
        %parallel_loop3A_201 = vector.shape_cast %parallel_loop3A_200 : vector<1x16xf32> to vector<16xf32>
        %parallel_loop3A_202 = vector.shape_cast %parallel_loop3A_197 : vector<16xf32> to vector<1x16xf32>
        tpu.vector_store %arg6[%parallel_loop3A_198, %parallel_loop3A_199], %parallel_loop3A_202 {strides = array<i32>} : memref<16x1024xf32, #tpu.memory_space<vmem>>, vector<1x16xf32>,
      } {sc.loop_unroll_factor = 8 : i64, sc.parallel_access}
    } {sc.loop_unroll_factor = 1 : i64, sc.parallel_access}
    %dma_start3A_88 = arith.constant 0 : i32
    %dma_start3A_89 = tpu.memref_slice %arg4[%mul3A_2, %dma_start3A_88] : memref<8192x1024xf32, #tpu.memory_space<hbm>> -> memref<16x1024xf32, #tpu.memory_space<hbm>>
    %dma_start3A_90 = arith.constant 0 : i32
    %dma_start3A_91 = tpu.memref_slice %arg4[%mul3A_2, %dma_start3A_90] : memref<8192x1024xf32, #tpu.memory_space<hbm>> -> memref<16x1024xf32, #tpu.memory_space<hbm>>
    tpu.enqueue_dma source(%arg6 : memref<16x1024xf32, #tpu.memory_space<vmem>>) target(%dma_start3A_91 : memref<16x1024xf32, #tpu.memory_space<hbm>>) target_semaphore(%arg9 : memref<!tpu.dma_semaphore, #tpu.memory_space<semaphore_mem>>)
    %scan3A = arith.constant 0 : i32
    %scan3A_92 = arith.constant 0 : i32
    %scan3A_93 = arith.constant 10 : i32
    %scan3A_94 = arith.addi %scan3A_92, %scan3A_93 : i32
    %scan3A_95 = arith.constant 1 : i32
    %scan3A_96 = scf.for %scan3A_186 = %scan3A_92 to %scan3A_94 step %scan3A_95 iter_args(%scan3A_187 = %scan3A) -> (i32)  : i32 {
      %rem3A_188 = arith.constant 4 : i32
      %rem3A_189 = arith.remsi %scan3A_186, %rem3A_188 : i32
      %add3A_190 = arith.constant 4 : i32
      %add3A_191 = arith.addi %scan3A_186, %add3A_190 : i32
      %sub3A_192 = arith.constant 1 : i32
      %sub3A_193 = arith.subi %add3A_191, %sub3A_192 : i32
      %rem3A_194 = arith.constant 4 : i32
      %rem3A_195 = arith.remsi %sub3A_193, %rem3A_194 : i32
      %add3A_196 = arith.constant 4 : i32
      %add3A_197 = arith.addi %scan3A_186, %add3A_196 : i32
      %sub3A_198 = arith.constant 1 : i32
      %sub3A_199 = arith.subi %add3A_197, %sub3A_198 : i32
      %lt3A_200 = arith.constant 10 : i32
      %lt3A_201 = arith.cmpi slt, %sub3A_199, %lt3A_200 : i32
      %ge3A = arith.constant 1 : i32
      %ge3A_202 = arith.cmpi sge, %scan3A_186, %ge3A : i32
      %and3A_203 = arith.andi %ge3A_202, %lt3A_201 : i1
      %convert_element_type3A = arith.extui %and3A_203 : i1 to i32
      %cond3A = arith.constant 0 : i32
      %cond3A_204 = arith.cmpi ne, %convert_element_type3A, %cond3A : i32
      scf.if %cond3A_204 {
        %sub3A_243 = arith.constant 1 : i32
        %sub3A_244 = arith.subi %scan3A_186, %sub3A_243 : i32
        %add3A_245 = arith.constant 16 : i32
        %add3A_246 = arith.addi %mul3A_2, %add3A_245 : i32
        %mul3A_247 = arith.constant 24 : i32
        %mul3A_248 = arith.muli %sub3A_244, %mul3A_247 : i32
        %add3A_249 = arith.addi %add3A_246, %mul3A_248 : i32
        %multiple_of3A_250 = tpu.assume_multiple %add3A_249, 8 : i32
        %dma_wait3A_251 = arith.constant 0 : i32
        %dma_wait3A_252 = arith.constant 0 : i32
        %dma_wait3A_253 = tpu.memref_slice %arg7[%rem3A_195, %dma_wait3A_251, %dma_wait3A_252] : memref<4x24x1024xf32, #tpu.memory_space<vmem>> -> memref<1x24x1024xf32, #tpu.memory_space<vmem>>
        %dma_wait3A_254 = tpu.memref_squeeze %dma_wait3A_253 : memref<1x24x1024xf32, #tpu.memory_space<vmem>> -> memref<24x1024xf32, #tpu.memory_space<vmem>>
        %dma_wait3A_255 = arith.constant 0 : i32
        %dma_wait3A_256 = tpu.memref_slice %arg4[%multiple_of3A_250, %dma_wait3A_255] : memref<8192x1024xf32, #tpu.memory_space<hbm>> -> memref<24x1024xf32, #tpu.memory_space<hbm>>
        %dma_wait3A_257 = tpu.memref_slice %arg11[%rem3A_195] : memref<4x!tpu.dma_semaphore, #tpu.memory_space<semaphore_mem>> -> memref<1x!tpu.dma_semaphore, #tpu.memory_space<semaphore_mem>>
        %dma_wait3A_258 = tpu.memref_squeeze %dma_wait3A_257 : memref<1x!tpu.dma_semaphore, #tpu.memory_space<semaphore_mem>> -> memref<!tpu.dma_semaphore, #tpu.memory_space<semaphore_mem>>
        %dma_wait3A_259 = arith.constant 0 : i32
        %dma_wait3A_260 = tpu.memref_slice %arg4[%multiple_of3A_250, %dma_wait3A_259] : memref<8192x1024xf32, #tpu.memory_space<hbm>> -> memref<24x1024xf32, #tpu.memory_space<hbm>>
        %dma_wait3A_261 = arith.constant 0 : i32
        %dma_wait3A_262 = arith.constant 0 : i32
        %dma_wait3A_263 = tpu.memref_slice %arg7[%rem3A_195, %dma_wait3A_261, %dma_wait3A_262] : memref<4x24x1024xf32, #tpu.memory_space<vmem>> -> memref<1x24x1024xf32, #tpu.memory_space<vmem>>
        %dma_wait3A_264 = tpu.memref_squeeze %dma_wait3A_263 : memref<1x24x1024xf32, #tpu.memory_space<vmem>> -> memref<24x1024xf32, #tpu.memory_space<vmem>>
        tpu.wait_dma2 semaphore(%dma_wait3A_258 : memref<!tpu.dma_semaphore, #tpu.memory_space<semaphore_mem>>) src(%dma_wait3A_264 : memref<24x1024xf32, #tpu.memory_space<vmem>>) dst(%dma_wait3A_260 : memref<24x1024xf32, #tpu.memory_space<hbm>>)
      } else {
      }
      %convert_element_type3A_205 = arith.extui %lt3A_201 : i1 to i32
      %cond3A_206 = arith.constant 0 : i32
      %cond3A_207 = arith.cmpi ne, %convert_element_type3A_205, %cond3A_206 : i32
      scf.if %cond3A_207 {
        %add3A_243 = arith.constant 4 : i32
        %add3A_244 = arith.addi %scan3A_186, %add3A_243 : i32
        %sub3A_245 = arith.constant 1 : i32
        %sub3A_246 = arith.subi %add3A_244, %sub3A_245 : i32
        %mul3A_247 = arith.constant 24 : i32
        %mul3A_248 = arith.muli %sub3A_246, %mul3A_247 : i32
        %add3A_249 = arith.constant 16 : i32
        %add3A_250 = arith.addi %add3A_249, %mul3A_248 : i32
        %multiple_of3A_251 = tpu.assume_multiple %add3A_250, 8 : i32
        %dma_start3A_252 = arith.constant 0 : i32
        %dma_start3A_253 = arith.constant 0 : i32
        %dma_start3A_254 = tpu.memref_slice %arg7[%rem3A_195, %dma_start3A_252, %dma_start3A_253] : memref<4x24x1024xf32, #tpu.memory_space<vmem>> -> memref<1x24x1024xf32, #tpu.memory_space<vmem>>
        %dma_start3A_255 = tpu.memref_squeeze %dma_start3A_254 : memref<1x24x1024xf32, #tpu.memory_space<vmem>> -> memref<24x1024xf32, #tpu.memory_space<vmem>>
        %dma_start3A_256 = tpu.memref_slice %arg5[%multiple_of3A_251] : memref<256xi32, #tpu.memory_space<vmem>> -> memref<24xi32, #tpu.memory_space<vmem>>
        %dma_start3A_257 = arith.constant 0 : i32
        %dma_start3A_258 = arith.constant 0 : i32
        %dma_start3A_259 = tpu.memref_slice %arg2[%dma_start3A_257, %dma_start3A_258] : memref<100000x1024xf32, #tpu.memory_space<hbm>> -> memref<100000x1024xf32, #tpu.memory_space<hbm>>
        %dma_start3A_260 = tpu.memref_slice %arg10[%rem3A_195] : memref<4x!tpu.dma_semaphore, #tpu.memory_space<semaphore_mem>> -> memref<1x!tpu.dma_semaphore, #tpu.memory_space<semaphore_mem>>
        %dma_start3A_261 = tpu.memref_squeeze %dma_start3A_260 : memref<1x!tpu.dma_semaphore, #tpu.memory_space<semaphore_mem>> -> memref<!tpu.dma_semaphore, #tpu.memory_space<semaphore_mem>>
        tpu.enqueue_indirect_dma source(%dma_start3A_259 : memref<100000x1024xf32, #tpu.memory_space<hbm>>) target(%dma_start3A_255 : memref<24x1024xf32, #tpu.memory_space<vmem>>) offsets(%dma_start3A_256 : memref<24xi32, #tpu.memory_space<vmem>>) semaphore(%dma_start3A_261 : memref<!tpu.dma_semaphore, #tpu.memory_space<semaphore_mem>>)
      } else {
      }
      %dma_wait3A_208 = arith.constant 0 : i32
      %dma_wait3A_209 = arith.constant 0 : i32
      %dma_wait3A_210 = tpu.memref_slice %arg7[%rem3A_189, %dma_wait3A_208, %dma_wait3A_209] : memref<4x24x1024xf32, #tpu.memory_space<vmem>> -> memref<1x24x1024xf32, #tpu.memory_space<vmem>>
      %dma_wait3A_211 = tpu.memref_squeeze %dma_wait3A_210 : memref<1x24x1024xf32, #tpu.memory_space<vmem>> -> memref<24x1024xf32, #tpu.memory_space<vmem>>
      %dma_wait3A_212 = arith.constant 0 : i32
      %dma_wait3A_213 = tpu.memref_slice %arg5[%dma_wait3A_212] : memref<256xi32, #tpu.memory_space<vmem>> -> memref<24xi32, #tpu.memory_space<vmem>>
      %dma_wait3A_214 = arith.constant 0 : i32
      %dma_wait3A_215 = arith.constant 0 : i32
      %dma_wait3A_216 = tpu.memref_slice %arg2[%dma_wait3A_214, %dma_wait3A_215] : memref<100000x1024xf32, #tpu.memory_space<hbm>> -> memref<100000x1024xf32, #tpu.memory_space<hbm>>
      %dma_wait3A_217 = tpu.memref_slice %arg10[%rem3A_189] : memref<4x!tpu.dma_semaphore, #tpu.memory_space<semaphore_mem>> -> memref<1x!tpu.dma_semaphore, #tpu.memory_space<semaphore_mem>>
      %dma_wait3A_218 = tpu.memref_squeeze %dma_wait3A_217 : memref<1x!tpu.dma_semaphore, #tpu.memory_space<semaphore_mem>> -> memref<!tpu.dma_semaphore, #tpu.memory_space<semaphore_mem>>
      tpu.wait_indirect_dma semaphore(%dma_wait3A_218 : memref<!tpu.dma_semaphore, #tpu.memory_space<semaphore_mem>>) src(%dma_wait3A_216 : memref<100000x1024xf32, #tpu.memory_space<hbm>>) dst(%dma_wait3A_211 : memref<24x1024xf32, #tpu.memory_space<vmem>>)
      %parallel_loop3A_219 = arith.constant 0 : i32
      %parallel_loop3A_220 = arith.constant 24 : i32
      %parallel_loop3A_221 = arith.constant 1 : i32
      scf.for %parallel_loop3A_243 = %parallel_loop3A_219 to %parallel_loop3A_220 step %parallel_loop3A_221  : i32 {
        %parallel_loop3A_244 = arith.constant 0 : i32
        %parallel_loop3A_245 = arith.constant 1024 : i32
        %parallel_loop3A_246 = arith.constant 16 : i32
        scf.for %parallel_loop3A_247 = %parallel_loop3A_244 to %parallel_loop3A_245 step %parallel_loop3A_246  : i32 {
          %parallel_loop3A_248 = arith.index_cast %rem3A_189 : i32 to index
          %parallel_loop3A_249 = arith.index_cast %parallel_loop3A_243 : i32 to index
          %parallel_loop3A_250 = arith.index_cast %parallel_loop3A_247 : i32 to index
          %parallel_loop3A_251 = tpu.vector_load %arg7[%parallel_loop3A_248, %parallel_loop3A_249, %parallel_loop3A_250] {strides = array<i32>} : memref<4x24x1024xf32, #tpu.memory_space<vmem>>, vector<1x1x16xf32>,
          %parallel_loop3A_252 = vector.shape_cast %parallel_loop3A_251 : vector<1x1x16xf32> to vector<16xf32>
          %parallel_loop3A_253 = arith.constant 3.200000e+01 : f32
          %parallel_loop3A_254 = vector.broadcast %parallel_loop3A_253 : f32 to vector<16xf32>
          %parallel_loop3A_255 = arith.mulf %parallel_loop3A_252, %parallel_loop3A_254 : vector<16xf32>
          %parallel_loop3A_256 = arith.index_cast %rem3A_189 : i32 to index
          %parallel_loop3A_257 = arith.index_cast %parallel_loop3A_243 : i32 to index
          %parallel_loop3A_258 = arith.index_cast %parallel_loop3A_247 : i32 to index
          %parallel_loop3A_259 = tpu.vector_load %arg7[%parallel_loop3A_256, %parallel_loop3A_257, %parallel_loop3A_258] {strides = array<i32>} : memref<4x24x1024xf32, #tpu.memory_space<vmem>>, vector<1x1x16xf32>,
          %parallel_loop3A_260 = vector.shape_cast %parallel_loop3A_259 : vector<1x1x16xf32> to vector<16xf32>
          %parallel_loop3A_261 = vector.shape_cast %parallel_loop3A_255 : vector<16xf32> to vector<1x1x16xf32>
          tpu.vector_store %arg7[%parallel_loop3A_256, %parallel_loop3A_257, %parallel_loop3A_258], %parallel_loop3A_261 {strides = array<i32>} : memref<4x24x1024xf32, #tpu.memory_space<vmem>>, vector<1x1x16xf32>,
        } {sc.loop_unroll_factor = 8 : i64, sc.parallel_access}
      } {sc.loop_unroll_factor = 1 : i64, sc.parallel_access}
      %add3A_222 = arith.constant 16 : i32
      %add3A_223 = arith.addi %mul3A_2, %add3A_222 : i32
      %mul3A_224 = arith.constant 24 : i32
      %mul3A_225 = arith.muli %scan3A_186, %mul3A_224 : i32
      %add3A_226 = arith.addi %add3A_223, %mul3A_225 : i32
      %multiple_of3A_227 = tpu.assume_multiple %add3A_226, 8 : i32
      %dma_start3A_228 = arith.constant 0 : i32
      %dma_start3A_229 = arith.constant 0 : i32
      %dma_start3A_230 = tpu.memref_slice %arg7[%rem3A_189, %dma_start3A_228, %dma_start3A_229] : memref<4x24x1024xf32, #tpu.memory_space<vmem>> -> memref<1x24x1024xf32, #tpu.memory_space<vmem>>
      %dma_start3A_231 = tpu.memref_squeeze %dma_start3A_230 : memref<1x24x1024xf32, #tpu.memory_space<vmem>> -> memref<24x1024xf32, #tpu.memory_space<vmem>>
      %dma_start3A_232 = arith.constant 0 : i32
      %dma_start3A_233 = tpu.memref_slice %arg4[%multiple_of3A_227, %dma_start3A_232] : memref<8192x1024xf32, #tpu.memory_space<hbm>> -> memref<24x1024xf32, #tpu.memory_space<hbm>>
      %dma_start3A_234 = tpu.memref_slice %arg11[%rem3A_189] : memref<4x!tpu.dma_semaphore, #tpu.memory_space<semaphore_mem>> -> memref<1x!tpu.dma_semaphore, #tpu.memory_space<semaphore_mem>>
      %dma_start3A_235 = tpu.memref_squeeze %dma_start3A_234 : memref<1x!tpu.dma_semaphore, #tpu.memory_space<semaphore_mem>> -> memref<!tpu.dma_semaphore, #tpu.memory_space<semaphore_mem>>
      %dma_start3A_236 = arith.constant 0 : i32
      %dma_start3A_237 = tpu.memref_slice %arg4[%multiple_of3A_227, %dma_start3A_236] : memref<8192x1024xf32, #tpu.memory_space<hbm>> -> memref<24x1024xf32, #tpu.memory_space<hbm>>
      %dma_start3A_238 = arith.constant 0 : i32
      %dma_start3A_239 = arith.constant 0 : i32
      %dma_start3A_240 = tpu.memref_slice %arg7[%rem3A_189, %dma_start3A_238, %dma_start3A_239] : memref<4x24x1024xf32, #tpu.memory_space<vmem>> -> memref<1x24x1024xf32, #tpu.memory_space<vmem>>
      %dma_start3A_241 = tpu.memref_squeeze %dma_start3A_240 : memref<1x24x1024xf32, #tpu.memory_space<vmem>> -> memref<24x1024xf32, #tpu.memory_space<vmem>>
      tpu.enqueue_dma source(%dma_start3A_241 : memref<24x1024xf32, #tpu.memory_space<vmem>>) target(%dma_start3A_237 : memref<24x1024xf32, #tpu.memory_space<hbm>>) target_semaphore(%dma_start3A_235 : memref<!tpu.dma_semaphore, #tpu.memory_space<semaphore_mem>>)
      %scan3A_242 = arith.constant 0 : i32
      scf.yield %scan3A_242 : i32
    }
    %scan3A_97 = arith.constant 10 : i32
    %dma_wait3A_98 = arith.constant 0 : i32
    %dma_wait3A_99 = tpu.memref_slice %arg4[%mul3A_2, %dma_wait3A_98] : memref<8192x1024xf32, #tpu.memory_space<hbm>> -> memref<16x1024xf32, #tpu.memory_space<hbm>>
    %dma_wait3A_100 = arith.constant 0 : i32
    %dma_wait3A_101 = tpu.memref_slice %arg4[%mul3A_2, %dma_wait3A_100] : memref<8192x1024xf32, #tpu.memory_space<hbm>> -> memref<16x1024xf32, #tpu.memory_space<hbm>>
    tpu.wait_dma2 semaphore(%arg9 : memref<!tpu.dma_semaphore, #tpu.memory_space<semaphore_mem>>) src(%arg6 : memref<16x1024xf32, #tpu.memory_space<vmem>>) dst(%dma_wait3A_101 : memref<16x1024xf32, #tpu.memory_space<hbm>>)
    %add3A_102 = arith.constant 16 : i32
    %add3A_103 = arith.addi %mul3A_2, %add3A_102 : i32
    %add3A_104 = arith.constant 144 : i32
    %add3A_105 = arith.addi %add3A_103, %add3A_104 : i32
    %multiple_of3A_106 = tpu.assume_multiple %add3A_105, 8 : i32
    %dma_wait3A_107 = arith.constant 2 : i32
    %dma_wait3A_108 = arith.constant 2 : i32
    %dma_wait3A_109 = arith.constant 0 : i32
    %dma_wait3A_110 = arith.constant 0 : i32
    %dma_wait3A_111 = tpu.memref_slice %arg7[%dma_wait3A_107, %dma_wait3A_109, %dma_wait3A_110] : memref<4x24x1024xf32, #tpu.memory_space<vmem>> -> memref<1x24x1024xf32, #tpu.memory_space<vmem>>
    %dma_wait3A_112 = tpu.memref_squeeze %dma_wait3A_111 : memref<1x24x1024xf32, #tpu.memory_space<vmem>> -> memref<24x1024xf32, #tpu.memory_space<vmem>>
    %dma_wait3A_113 = arith.constant 0 : i32
    %dma_wait3A_114 = tpu.memref_slice %arg4[%multiple_of3A_106, %dma_wait3A_113] : memref<8192x1024xf32, #tpu.memory_space<hbm>> -> memref<24x1024xf32, #tpu.memory_space<hbm>>
    %dma_wait3A_115 = tpu.memref_slice %arg11[%dma_wait3A_108] : memref<4x!tpu.dma_semaphore, #tpu.memory_space<semaphore_mem>> -> memref<1x!tpu.dma_semaphore, #tpu.memory_space<semaphore_mem>>
    %dma_wait3A_116 = tpu.memref_squeeze %dma_wait3A_115 : memref<1x!tpu.dma_semaphore, #tpu.memory_space<semaphore_mem>> -> memref<!tpu.dma_semaphore, #tpu.memory_space<semaphore_mem>>
    %dma_wait3A_117 = arith.constant 0 : i32
    %dma_wait3A_118 = tpu.memref_slice %arg4[%multiple_of3A_106, %dma_wait3A_117] : memref<8192x1024xf32, #tpu.memory_space<hbm>> -> memref<24x1024xf32, #tpu.memory_space<hbm>>
    %dma_wait3A_119 = arith.constant 0 : i32
    %dma_wait3A_120 = arith.constant 0 : i32
    %dma_wait3A_121 = tpu.memref_slice %arg7[%dma_wait3A_107, %dma_wait3A_119, %dma_wait3A_120] : memref<4x24x1024xf32, #tpu.memory_space<vmem>> -> memref<1x24x1024xf32, #tpu.memory_space<vmem>>
    %dma_wait3A_122 = tpu.memref_squeeze %dma_wait3A_121 : memref<1x24x1024xf32, #tpu.memory_space<vmem>> -> memref<24x1024xf32, #tpu.memory_space<vmem>>
    tpu.wait_dma2 semaphore(%dma_wait3A_116 : memref<!tpu.dma_semaphore, #tpu.memory_space<semaphore_mem>>) src(%dma_wait3A_122 : memref<24x1024xf32, #tpu.memory_space<vmem>>) dst(%dma_wait3A_118 : memref<24x1024xf32, #tpu.memory_space<hbm>>)
    %add3A_123 = arith.constant 16 : i32
    %add3A_124 = arith.addi %mul3A_2, %add3A_123 : i32
    %add3A_125 = arith.constant 168 : i32
    %add3A_126 = arith.addi %add3A_124, %add3A_125 : i32
    %multiple_of3A_127 = tpu.assume_multiple %add3A_126, 8 : i32
    %dma_wait3A_128 = arith.constant 3 : i32
    %dma_wait3A_129 = arith.constant 3 : i32
    %dma_wait3A_130 = arith.constant 0 : i32
    %dma_wait3A_131 = arith.constant 0 : i32
    %dma_wait3A_132 = tpu.memref_slice %arg7[%dma_wait3A_128, %dma_wait3A_130, %dma_wait3A_131] : memref<4x24x1024xf32, #tpu.memory_space<vmem>> -> memref<1x24x1024xf32, #tpu.memory_space<vmem>>
    %dma_wait3A_133 = tpu.memref_squeeze %dma_wait3A_132 : memref<1x24x1024xf32, #tpu.memory_space<vmem>> -> memref<24x1024xf32, #tpu.memory_space<vmem>>
    %dma_wait3A_134 = arith.constant 0 : i32
    %dma_wait3A_135 = tpu.memref_slice %arg4[%multiple_of3A_127, %dma_wait3A_134] : memref<8192x1024xf32, #tpu.memory_space<hbm>> -> memref<24x1024xf32, #tpu.memory_space<hbm>>
    %dma_wait3A_136 = tpu.memref_slice %arg11[%dma_wait3A_129] : memref<4x!tpu.dma_semaphore, #tpu.memory_space<semaphore_mem>> -> memref<1x!tpu.dma_semaphore, #tpu.memory_space<semaphore_mem>>
    %dma_wait3A_137 = tpu.memref_squeeze %dma_wait3A_136 : memref<1x!tpu.dma_semaphore, #tpu.memory_space<semaphore_mem>> -> memref<!tpu.dma_semaphore, #tpu.memory_space<semaphore_mem>>
    %dma_wait3A_138 = arith.constant 0 : i32
    %dma_wait3A_139 = tpu.memref_slice %arg4[%multiple_of3A_127, %dma_wait3A_138] : memref<8192x1024xf32, #tpu.memory_space<hbm>> -> memref<24x1024xf32, #tpu.memory_space<hbm>>
    %dma_wait3A_140 = arith.constant 0 : i32
    %dma_wait3A_141 = arith.constant 0 : i32
    %dma_wait3A_142 = tpu.memref_slice %arg7[%dma_wait3A_128, %dma_wait3A_140, %dma_wait3A_141] : memref<4x24x1024xf32, #tpu.memory_space<vmem>> -> memref<1x24x1024xf32, #tpu.memory_space<vmem>>
    %dma_wait3A_143 = tpu.memref_squeeze %dma_wait3A_142 : memref<1x24x1024xf32, #tpu.memory_space<vmem>> -> memref<24x1024xf32, #tpu.memory_space<vmem>>
    tpu.wait_dma2 semaphore(%dma_wait3A_137 : memref<!tpu.dma_semaphore, #tpu.memory_space<semaphore_mem>>) src(%dma_wait3A_143 : memref<24x1024xf32, #tpu.memory_space<vmem>>) dst(%dma_wait3A_139 : memref<24x1024xf32, #tpu.memory_space<hbm>>)
    %add3A_144 = arith.constant 16 : i32
    %add3A_145 = arith.addi %mul3A_2, %add3A_144 : i32
    %add3A_146 = arith.constant 192 : i32
    %add3A_147 = arith.addi %add3A_145, %add3A_146 : i32
    %multiple_of3A_148 = tpu.assume_multiple %add3A_147, 8 : i32
    %dma_wait3A_149 = arith.constant 0 : i32
    %dma_wait3A_150 = arith.constant 0 : i32
    %dma_wait3A_151 = arith.constant 0 : i32
    %dma_wait3A_152 = arith.constant 0 : i32
    %dma_wait3A_153 = tpu.memref_slice %arg7[%dma_wait3A_149, %dma_wait3A_151, %dma_wait3A_152] : memref<4x24x1024xf32, #tpu.memory_space<vmem>> -> memref<1x24x1024xf32, #tpu.memory_space<vmem>>
    %dma_wait3A_154 = tpu.memref_squeeze %dma_wait3A_153 : memref<1x24x1024xf32, #tpu.memory_space<vmem>> -> memref<24x1024xf32, #tpu.memory_space<vmem>>
    %dma_wait3A_155 = arith.constant 0 : i32
    %dma_wait3A_156 = tpu.memref_slice %arg4[%multiple_of3A_148, %dma_wait3A_155] : memref<8192x1024xf32, #tpu.memory_space<hbm>> -> memref<24x1024xf32, #tpu.memory_space<hbm>>
    %dma_wait3A_157 = tpu.memref_slice %arg11[%dma_wait3A_150] : memref<4x!tpu.dma_semaphore, #tpu.memory_space<semaphore_mem>> -> memref<1x!tpu.dma_semaphore, #tpu.memory_space<semaphore_mem>>
    %dma_wait3A_158 = tpu.memref_squeeze %dma_wait3A_157 : memref<1x!tpu.dma_semaphore, #tpu.memory_space<semaphore_mem>> -> memref<!tpu.dma_semaphore, #tpu.memory_space<semaphore_mem>>
    %dma_wait3A_159 = arith.constant 0 : i32
    %dma_wait3A_160 = tpu.memref_slice %arg4[%multiple_of3A_148, %dma_wait3A_159] : memref<8192x1024xf32, #tpu.memory_space<hbm>> -> memref<24x1024xf32, #tpu.memory_space<hbm>>
    %dma_wait3A_161 = arith.constant 0 : i32
    %dma_wait3A_162 = arith.constant 0 : i32
    %dma_wait3A_163 = tpu.memref_slice %arg7[%dma_wait3A_149, %dma_wait3A_161, %dma_wait3A_162] : memref<4x24x1024xf32, #tpu.memory_space<vmem>> -> memref<1x24x1024xf32, #tpu.memory_space<vmem>>
    %dma_wait3A_164 = tpu.memref_squeeze %dma_wait3A_163 : memref<1x24x1024xf32, #tpu.memory_space<vmem>> -> memref<24x1024xf32, #tpu.memory_space<vmem>>
    tpu.wait_dma2 semaphore(%dma_wait3A_158 : memref<!tpu.dma_semaphore, #tpu.memory_space<semaphore_mem>>) src(%dma_wait3A_164 : memref<24x1024xf32, #tpu.memory_space<vmem>>) dst(%dma_wait3A_160 : memref<24x1024xf32, #tpu.memory_space<hbm>>)
    %add3A_165 = arith.constant 16 : i32
    %add3A_166 = arith.addi %mul3A_2, %add3A_165 : i32
    %add3A_167 = arith.constant 216 : i32
    %add3A_168 = arith.addi %add3A_166, %add3A_167 : i32
    %multiple_of3A_169 = tpu.assume_multiple %add3A_168, 8 : i32
    %dma_wait3A_170 = arith.constant 1 : i32
    %dma_wait3A_171 = arith.constant 1 : i32
    %dma_wait3A_172 = arith.constant 0 : i32
    %dma_wait3A_173 = arith.constant 0 : i32
    %dma_wait3A_174 = tpu.memref_slice %arg7[%dma_wait3A_170, %dma_wait3A_172, %dma_wait3A_173] : memref<4x24x1024xf32, #tpu.memory_space<vmem>> -> memref<1x24x1024xf32, #tpu.memory_space<vmem>>
    %dma_wait3A_175 = tpu.memref_squeeze %dma_wait3A_174 : memref<1x24x1024xf32, #tpu.memory_space<vmem>> -> memref<24x1024xf32, #tpu.memory_space<vmem>>
    %dma_wait3A_176 = arith.constant 0 : i32
    %dma_wait3A_177 = tpu.memref_slice %arg4[%multiple_of3A_169, %dma_wait3A_176] : memref<8192x1024xf32, #tpu.memory_space<hbm>> -> memref<24x1024xf32, #tpu.memory_space<hbm>>
    %dma_wait3A_178 = tpu.memref_slice %arg11[%dma_wait3A_171] : memref<4x!tpu.dma_semaphore, #tpu.memory_space<semaphore_mem>> -> memref<1x!tpu.dma_semaphore, #tpu.memory_space<semaphore_mem>>
    %dma_wait3A_179 = tpu.memref_squeeze %dma_wait3A_178 : memref<1x!tpu.dma_semaphore, #tpu.memory_space<semaphore_mem>> -> memref<!tpu.dma_semaphore, #tpu.memory_space<semaphore_mem>>
    %dma_wait3A_180 = arith.constant 0 : i32
    %dma_wait3A_181 = tpu.memref_slice %arg4[%multiple_of3A_169, %dma_wait3A_180] : memref<8192x1024xf32, #tpu.memory_space<hbm>> -> memref<24x1024xf32, #tpu.memory_space<hbm>>
    %dma_wait3A_182 = arith.constant 0 : i32
    %dma_wait3A_183 = arith.constant 0 : i32
    %dma_wait3A_184 = tpu.memref_slice %arg7[%dma_wait3A_170, %dma_wait3A_182, %dma_wait3A_183] : memref<4x24x1024xf32, #tpu.memory_space<vmem>> -> memref<1x24x1024xf32, #tpu.memory_space<vmem>>
    %dma_wait3A_185 = tpu.memref_squeeze %dma_wait3A_184 : memref<1x24x1024xf32, #tpu.memory_space<vmem>> -> memref<24x1024xf32, #tpu.memory_space<vmem>>
    tpu.wait_dma2 semaphore(%dma_wait3A_179 : memref<!tpu.dma_semaphore, #tpu.memory_space<semaphore_mem>>) src(%dma_wait3A_185 : memref<24x1024xf32, #tpu.memory_space<vmem>>) dst(%dma_wait3A_181 : memref<24x1024xf32, #tpu.memory_space<hbm>>)
    return
  }
}

</mosaic_0001>

<sc_bundles>
// kernel: kernel.3.cloned.1.call-start
scs
__scs_entry_jumppad:
0x0: {  	(pc) =	sbr.rel $0x88, $3  }
0x1: {  	(tag) =	ssettag $0x0;
	lr =	simm.s32 $0x1  }
0x2: {  	[smem:$0x3F9F] =	sst lr;
	_ =	strace $0xD0000000  }
0x3: {  	_ = 	snop  }
0x4: {  	_ = 	snop  }
0x5: {  	_ = 	snop  }
0x6: {  	_ = 	snop  }
0x7: {  	_ = 	snop  }
__scs_overlays_trampoline_lowered:
0x8: {  	[smem:$0x3FAE] =	sst s0  }
0x9: {  	[smem:$0x3FAF] =	sst s1  }
0xa: {  	[smem:$0x3FB0] =	sst s2  }
0xb: {  	[smem:$0x3FB1] =	sst s3  }
0xc: {  	[smem:$0x3FB2] =	sst s4  }
0xd: {  	[smem:$0x3FB3] =	sst s5  }
0xe: {  	[smem:$0x3FB4] =	sst s6  }
0xf: {  	[smem:$0x3FB5] =	sst s7  }
0x10: {  	[smem:$0x3FB6] =	sst s8  }
0x11: {  	[smem:$0x3FB7] =	sst s9;
	s0 =	simm.s32 @!p0 $0x0  }
0x12: {  	s1 =	sld [smem:$0x3F9D];
	s0 =	simm.s32 @p0 $0x1  }
0x13: {  	[smem:$0x3FB8] =	sst s0;
	s0 =	simm.s32 @!p1 $0x0  }
0x14: {  	s2 =	sld [smem:$0x3F9C];
	s0 =	simm.s32 @p1 $0x1  }
0x15: {  	[smem:$0x3FB9] =	sst s0;
	s0 =	simm.s32 @!p2 $0x0  }
0x16: {  	s3 =	sld [smem:$0x3FDB];
	s0 =	simm.s32 @p2 $0x1  }
0x17: {  	s4 =	simm.s32 $0x1BF5;
	[smem:$0x3FBB] =	sst s0  }
0x18: {  	s0 =	sld [smem:$0x3F9E];
	_ =	swait.ge [sflag:s4], $0x0  }
0x19: {  	s7 =	sld [smem:$0x3F9F]  }
0x1a: {  	s8 =	sadd.s32 $0xFFFFE003, lr  }
0x1b: {  	s9 =	sadd.s32 $0xFFFFFEF7, lr;
	s5 =	simm.s32 $0xFFFFFFFF;
	p2 =	slt.u32 s8, $0xFFFFF086  }
0x1c: {  	p1 =	slt.u32 s9, $0xF7A;
	s5 =	simm.s32 @!p2 $0x0  }
0x1d: {  	s5 =	simm.s32 @p1 $0x1;
	p0 =	seq.s32 s7, s2  }
0x1e: {  	s7 =	smul.u32 @!p0 $0xF7A, s2;
	p2 =	seq.s32 @!p0 s5, $0x0  }
0x1f: {  	s9 =	smul.u32 $0xF7A, s1;
	s8 =	simm.s32 @!p0 $0x1BF5;
	p2 =	por !p2, p0  }
0x20: {  	[sflag:s8] =	ssyncset.s32 @!p0 $0xFFFFF086;
	s6 =	sadd.s32 @!p0 s3, s7;
	s7 =	simm.s32 @!p0 $0x108  }
0x21: {  	s3 =	sadd.s32 s3, s9;
	s6 =	sadd.s32 @!p0 $0x88, s6;
	s7 =	simm.s32 @p2 $0x1082  }
0x22: {  	[simem:s7], [sflag:s8] =	dma.local @!p0 [hbm:s6], $0xF7A  }
0x23: {  	s9 =	sor.u32 $0xD0000000, s2;
	s6 =	simm.s32 $0x108;
	_ =	swait.ge @!p0 [sflag:s8], $0x0  }
0x24: {  	s3 =	sadd.s32 $0x88, s3;
	s6 =	simm.s32 @!p1 $0x1082;
	[sflag:s4] =	ssyncset.s32 $0xFFFFF086  }
0x25: {  	[simem:s6], [sflag:s4] =	dma.local [hbm:s3], $0xF7A  }
0x26: {  	[smem:$0x3F9F] =	sst s1;
	(tag) =	ssettag s2;
	_ =	strace s9  }
0x27: {  	s1 =	sld [smem:$0x3FAF]  }
0x28: {  	s2 =	sld [smem:$0x3FB0]  }
0x29: {  	s4 =	sld [smem:$0x3FB2]  }
0x2a: {  	p0 =	seq.s32 s5, $0x0;
	s5 =	sld [smem:$0x3FB3]  }
0x2b: {  	s6 =	sld [smem:$0x3FB4]  }
0x2c: {  	s7 =	sld [smem:$0x3FB5]  }
0x2d: {  	s3 =	simm.s32 $0x108;
	s8 =	sld [smem:$0x3FB6]  }
0x2e: {  	s3 =	simm.s32 @!p0 $0x1082;
	s9 =	sld [smem:$0x3FB7]  }
0x2f: {  	lr =	sadd.s32 s0, s3;
	s0 =	sld [smem:$0x3FAE]  }
0x30: {  	s3 =	sld [smem:$0x3FB1]  }
0x31: {  	[smem:$0x3FBA] =	sst s10  }
0x32: {  	s10 =	sld [smem:$0x3FB8];
	_ =	sdelay $0x3  }
0x33: {  	p0 =	seq.s32 s10, $0x1;
	s10 =	sld [smem:$0x3FBA];
	_ =	sdelay $0x3  }
0x34: {  	[smem:$0x3FBA] =	sst s10  }
0x35: {  	s10 =	sld [smem:$0x3FB9];
	_ =	sdelay $0x3  }
0x36: {  	p1 =	seq.s32 s10, $0x1;
	s10 =	sld [smem:$0x3FBA];
	_ =	sdelay $0x3  }
0x37: {  	[smem:$0x3FBA] =	sst s10  }
0x38: {  	s10 =	sld [smem:$0x3FBB]  }
0x39: {  	_ = 	snop;
	(pc) =	sbr.ind lr, $3  }
0x3a: {  	_ = 	snop  }
0x3b: {  	_ = 	snop  }
0x3c: {  	p2 =	seq.s32 s10, $0x1;
	s10 =	sld [smem:$0x3FBA]  }
0x3d: {  	_ =	shalt  }
0x3e: {  	_ =	shalt  }
0x3f: {  	_ =	shalt  }
0x40: {  	_ =	shalt  }
0x41: {  	_ =	shalt  }
0x42: {  	_ =	shalt  }
0x43: {  	_ =	shalt  }
0x44: {  	_ =	shalt  }
0x45: {  	_ =	shalt  }
0x46: {  	_ =	shalt  }
0x47: {  	_ =	shalt  }
0x48: {  	_ =	shalt  }
0x49: {  	_ =	shalt  }
0x4a: {  	_ =	shalt  }
0x4b: {  	_ =	shalt  }
0x4c: {  	_ =	shalt  }
0x4d: {  	_ =	shalt  }
0x4e: {  	_ =	shalt  }
0x4f: {  	_ =	shalt  }
0x50: {  	_ =	shalt  }
0x51: {  	_ =	shalt  }
0x52: {  	_ =	shalt  }
0x53: {  	_ =	shalt  }
0x54: {  	_ =	shalt  }
0x55: {  	_ =	shalt  }
0x56: {  	_ =	shalt  }
0x57: {  	_ =	shalt  }
0x58: {  	_ =	shalt  }
0x59: {  	_ =	shalt  }
0x5a: {  	_ =	shalt  }
0x5b: {  	_ =	shalt  }
0x5c: {  	_ =	shalt  }
0x5d: {  	_ =	shalt  }
0x5e: {  	_ =	shalt  }
0x5f: {  	_ =	shalt  }
0x60: {  	_ =	shalt  }
0x61: {  	_ =	shalt  }
0x62: {  	_ =	shalt  }
0x63: {  	_ =	shalt  }
0x64: {  	_ =	shalt  }
0x65: {  	_ =	shalt  }
0x66: {  	_ =	shalt  }
0x67: {  	_ =	shalt  }
0x68: {  	_ =	shalt  }
0x69: {  	_ =	shalt  }
0x6a: {  	_ =	shalt  }
0x6b: {  	_ =	shalt  }
0x6c: {  	_ =	shalt  }
0x6d: {  	_ =	shalt  }
0x6e: {  	_ =	shalt  }
0x6f: {  	_ =	shalt  }
0x70: {  	_ =	shalt  }
0x71: {  	_ =	shalt  }
0x72: {  	_ =	shalt  }
0x73: {  	_ =	shalt  }
0x74: {  	_ =	shalt  }
0x75: {  	_ =	shalt  }
0x76: {  	_ =	shalt  }
0x77: {  	_ =	shalt  }
0x78: {  	_ =	shalt  }
0x79: {  	_ =	shalt  }
0x7a: {  	_ =	shalt  }
0x7b: {  	_ =	shalt  }
0x7c: {  	_ =	shalt  }
0x7d: {  	_ =	shalt  }
0x7e: {  	_ =	shalt  }
0x7f: {  	_ =	shalt  }
0x80: {  	_ =	shalt  }
0x81: {  	_ =	shalt  }
0x82: {  	_ =	shalt  }
0x83: {  	_ =	shalt  }
0x84: {  	_ =	shalt  }
0x85: {  	_ =	shalt  }
0x86: {  	_ =	shalt  }
0x87: {  	_ =	shalt  }
.Lfunc_end0:
.L_simem_size_0:
called_computation_lowered:
.L_overlay_start_0:
0x88: {  	s2 =	sld [smem:$0x3FD9]  }
0x89: {  	s3 =	sld [smem:$0x3FFE];
	_ =	sdelay $0x1  }
0x8a: {  	s1 =	srdreg.scid  }
0x8b: {  	s0 =	sand.u32 $0x1, s1  }
0x8c: {  	s18 =	sshll.u32 s0, $0xA;
	s2 =	sadd.s32 s3, s2  }
0x8d: {  	s2 =	sadd.s32 s2, s18  }
0x8e: {  	[smem:$0x3FC6] =	sst s2  }
0x8f: {  	_ = 	snop  }
0x90: {  	s2 =	sld [smem:$0x3FC9]  }
0x91: {  	s19 =	sld [smem:$0x3FC8]  }
0x92: {  	s4 =	sld [smem:$0x3FD0];
	(tm) =	ssettm $0x1  }
0x93: {  	s5 =	sld [smem:$0x3FFB];
	_ =	sdelay $0x3  }
0x94: {  	_ =	strace s5  }
0x95: {  	s5 =	sld [smem:$0x3FFC];
	_ =	sdelay $0x3  }
0x96: {  	_ =	strace s5  }
0x97: {  	s5 =	sld [smem:$0x3FFD];
	_ =	sdelay $0x3  }
0x98: {  	_ =	strace s5  }
0x99: {  	_ =	strace $0x8FFFFFFF  }
0x9a: {  	s20 =	sld [smem:$0x3FDB];
	_ =	sdelay $0x1  }
0x9b: {  	s6 =	simm.s32 $_scs_section_size  }
0x9c: {  	s7 =	simm.s32 $_size__tile_overlayer_lowered;
	s8 =	simm.s32 $_tile_overlayer_lowered  }
0x9d: {  	s23 =	simm.s32 $0x1BFF;
	s22 =	sshll.u32 s8, $0x1;
	s5 =	sadd.s32 s6, s20  }
0x9e: {  	s9 =	simm.s32 $0x0;
	s21 =	sshll.u32 s7, $0x1;
	s7 =	sadd.s32 s22, s5  }
0x9f: {  	[timem:s9], [sflag:s23] =	dma.local [hbm:s7], s21  }
0xa0: {  	_ =	swait.ge [sflag:s23], s21  }
0xa1: {  	s6 =	ssub.s32 $0x0, s21;
	[sflag:s23] =	ssyncset.done $0x0  }
0xa2: {  	[sflag:s23] =	ssyncadd.s32 s6;
	_ =	sdelay $0x1  }
0xa3: {  	s24 =	simm.s32 $0x1B8B  }
0xa4: {  	_ =	swait.ge [sflag:s24], $0x1  }
0xa5: {  	[sflag:s24] =	ssyncset.done $0x0  }
0xa6: {  	s25 =	simm.s32 $0x1B8E;
	[sflag:s24] =	ssyncadd.s32 $0xFFFFFFFF  }
0xa7: {  	s26 =	simm.s32 $execute0_lowered;
	[smem:$0x3FD2] =	sst s25  }
0xa8: {  	s6 =	sshll.u32 s26, $0x1;
	_ =	strace $0x80000046;
	[dreg:$0x1] =	wrdreg $0xFFFFFFFF  }
0xa9: {  	s28 =	simm.s32 $_size_execute0_lowered;
	s5 =	sadd.s32 s5, s6;
	[dreg:$0x0] =	wrdreg $0x0  }
0xaa: {  	s6 =	sshll.u32 s28, $0x1;
	[dreg:$0x2] =	wrdreg s5  }
0xab: {  	[dreg:$0x3] =	wrdreg s6  }
0xac: {  	[dreg:$0x4] =	wrdreg $0xC0  }
0xad: {  	_ =	task [dreg:s9], $0x5FFFF  }
0xae: {  	[dreg:$0x1] =	wrdreg $0xFFFFFFFF  }
0xaf: {  	[dreg:$0x0] =	wrdreg $0x60  }
0xb0: {  	[dreg:$0x2] =	wrdreg s19  }
0xb1: {  	[dreg:$0x3] =	wrdreg s2  }
0xb2: {  	[dreg:$0x4] =	wrdreg s4  }
0xb3: {  	[dreg:$0x5] =	wrdreg $0x9  }
0xb4: {  	_ =	task.clear_ibuf [dreg:s9], $0x6FFFF;
	_ =	strace $0x90000046  }
0xb5: {  	s29 =	simm.s32 $0x9;
	_ =	strace $0x80000048  }
0xb6: {  	_ =	swait.ge [sflag:s29], $0x1  }
0xb7: {  	[sflag:s29] =	ssyncadd.s32 $0xFFFFFFFF  }
0xb8: {  	_ =	strace $0x90000048  }
0xb9: {  	_ =	sfence  }
0xba: {  	s30 =	sld [smem:$0x0];
	_ =	sdelay $0x2  }
0xbb: {  	s31 =	sshll.u32 s1, $0xD;
	s1 =	sshrl.u32 s1, $0x2  }
0xbc: {  	s3 =	sand.u32 $0x4000, s31;
	s1 =	sadd.s32 s1, s30  }
0xbd: {  	s0 =	sor.u32 s3, s0;
	s1 =	sshll.u32 s1, $0x11  }
0xbe: {  	s0 =	sor.u32 s1, s0  }
0xbf: {  	s0 =	sadd.s32 $0x8F2B, s0  }
0xc0: {  	[sflag:s0] =	ssyncadd.remote.s32 $0x1  }
0xc1: {  	_ =	sfence.sel $0xFFFF  }
0xc2: {  	[dreg:$0x0] =	wrdreg $0xFFFFFFFF;
	(pc) =	sbr.abs _section_cstart, $3  }
0xc3: {  	[dreg:$0x1] =	wrdreg $0xFFFFFFFF  }
0xc4: {  	_ =	task.clear_ibuf [dreg:s9], $0x2FFFF;
	_ =	strace $0x9FFFFFFF  }
0xc5: {  	(tm) =	ssettm $0x7FFFFFFF  }
tec
execute0_lowered:
.L_overlay_start_1:
0x0: {  	(tag) =	ssettag $0x1  }
0x1: {  	s1 =	rddreg [dreg:$0x0]  }
0x2: {  	s0 =	rddreg [dreg:$0x1]  }
0x3: {  	s2 =	srdreg.scid;
	s6 =	stileid.u32  }
0x4: {  	s3 =	rddreg [dreg:$0x2];
	s4 =	simm.s32 $0x0;
	s13 =	simm.s32 $0xB  }
0x5: {  	s14 =	simm.s32 $0x100;
	s23 =	simm.s32 $0x1;
	s24 =	simm.s32 $0x2  }
0x6: {  	s25 =	simm.s32 $0x9;
	s26 =	simm.s32 $0xA;
	s28 =	simm.s32 $0x7  }
0x7: {  	s29 =	simm.s32 $0x8;
	s30 =	simm.s32 $0x0;
	s2 =	sand.u32 $0x1, s2  }
0x8: {  	s5 =	sshll.u32 s6, $0x1;
	s6 =	sshll.u32 s6, $0x2;
	[smem:$0x7FF] =	sst s4  }
0x9: {  	s8 =	sadd.s32 $0x300, s1;
	s9 =	sor.u32 s2, s5;
	s2 =	ssub.s32 $0x2, s2  }
0xa: {  	_ =	strace $0x80000047;
	s5 =	sshll.u32 s9, $0x7;
	s7 =	sshrl.u32 s2, $0x1  }
0xb: {  	s11 =	sshll.u32 s9, $0x8;
	s31 =	sshll.u32 s9, $0xF;
	s5 =	sor.u32 s6, s5  }
0xc: {  	v2 =	vlaneseq.u32;
	s2 =	ssub.s32 s2, s7;
	s6 =	sadd.s32 $0x100, s1;
	s5 =	sand.u32 $0x3B0, s5  }
0xd: {  	vm0 =	vmmov $0xffff;
	v1 =	vshrl.u32 v2, $0x3;
	s7 =	sadd.s32 $0x200, s1;
	s10 =	sadd.s32 s3, s31;
	s5 =	sadd.s32 s0, s5  }
0xe: {  	v0 =	vand.u32 $0x7, v2;
	v2 =	vor.u32 $0x8, v2;
	v1 =	vmul.u32 $0x8, v1;
	s11 =	sor.u32 $0x10, s11;
	s12 =	smax.u32 s2, $0x1;
	s9 =	sadd.s32 $0x40, s5  }
.LBB2_1:
0xf: {  	[tilespmem:s4], [sflag:$0xB] =	stream.linear.gather [hbm4b:s5+s4], $0x80, $0x38;
	[tilespmem:$0x1C100] =	vst v63  }
0x10: {  	_ =	swait.ge [sflag:s13], $0x80  }
0x11: {  	[sflag:s13] =	ssyncset.done $0x0  }
0x12: {  	[sflag:s13] =	ssyncadd.s32 $0xFFFFFF80  }
0x13: {  	v3 =	vld [tilespmem:$0x0];
	_ =	sdelay $0x4  }
0x14: {  	v4 =	vshll.u32 v3, $0x3  }
0x15: {  	v3 =	vand.u32 $0x7, v3;
	v4 =	vand.u32 $0xFFFFFFC0, v4  }
0x16: {  	v3 =	vor.u32 v3, v4  }
0x17: {  	v4 =	vperm.xlane v3, v0;
	_ =	sdelay $0x1  }
0x18: {  	v4 =	vadd.s32 v1, v4;
	_ =	sdelay $0x4  }
0x19: {  	[tilespmem:s14], [sflag:$0x1] =	stream.indirect_vreg.gather [hbm4b:s1+s4], $0x80, v4, vm0, $0xb8;
	[tilespmem:$0x1C100] =	vst v63  }
0x1a: {  	s0 =	simm.s32 $0x900;
	v3 =	vperm.xlane v3, v2  }
0x1b: {  	[tilespmem:s0], [sflag:$0x1] =	stream.indirect_vreg.gather [hbm4b:s6+s4], $0x80, v4, vm0, $0xb8;
	[tilespmem:$0x1C100] =	vst v63  }
0x1c: {  	s21 =	simm.s32 $0x1100;
	v3 =	vadd.s32 v1, v3  }
0x1d: {  	[tilespmem:s21], [sflag:$0x1] =	stream.indirect_vreg.gather [hbm4b:s7+s4], $0x80, v4, vm0, $0xb8;
	[tilespmem:$0x1C100] =	vst v63  }
0x1e: {  	s22 =	simm.s32 $0x1900  }
0x1f: {  	[tilespmem:s22], [sflag:$0x1] =	stream.indirect_vreg.gather [hbm4b:s8+s4], $0x80, v4, vm0, $0xb8;
	[tilespmem:$0x1C100] =	vst v63  }
0x20: {  	s31 =	simm.s32 $0x2100  }
0x21: {  	[tilespmem:s31], [sflag:$0x1] =	stream.indirect_vreg.gather [hbm4b:s1+s4], $0x80, v3, vm0, $0xb8;
	[tilespmem:$0x1C100] =	vst v63  }
0x22: {  	s2 =	simm.s32 $0x2900  }
0x23: {  	[tilespmem:s2], [sflag:$0x1] =	stream.indirect_vreg.gather [hbm4b:s6+s4], $0x80, v3, vm0, $0xb8;
	[tilespmem:$0x1C100] =	vst v63  }
0x24: {  	s15 =	simm.s32 $0x3100  }
0x25: {  	[tilespmem:s15], [sflag:$0x1] =	stream.indirect_vreg.gather [hbm4b:s7+s4], $0x80, v3, vm0, $0xb8;
	[tilespmem:$0x1C100] =	vst v63  }
0x26: {  	s16 =	simm.s32 $0x3900  }
0x27: {  	[tilespmem:s16], [sflag:$0x1] =	stream.indirect_vreg.gather [hbm4b:s8+s4], $0x80, v3, vm0, $0xb8;
	[tilespmem:$0x1C100] =	vst v63  }
0x28: {  	v3 =	vld [tilespmem:$0x10];
	_ =	sdelay $0x4  }
0x29: {  	v58 =	vshll.u32 v3, $0x3  }
0x2a: {  	v3 =	vand.u32 $0x7, v3;
	v4 =	vand.u32 $0xFFFFFFC0, v58  }
0x2b: {  	v3 =	vor.u32 v3, v4  }
0x2c: {  	v4 =	vperm.xlane v3, v0;
	_ =	sdelay $0x1  }
0x2d: {  	v4 =	vadd.s32 v1, v4;
	_ =	sdelay $0x3  }
0x2e: {  	s17 =	simm.s32 $0x4100  }
0x2f: {  	[tilespmem:s17], [sflag:$0x3] =	stream.indirect_vreg.gather [hbm4b:s1+s4], $0x80, v4, vm0, $0xb8;
	[tilespmem:$0x1C100] =	vst v63  }
0x30: {  	s18 =	simm.s32 $0x4900;
	v3 =	vperm.xlane v3, v2  }
0x31: {  	[tilespmem:s18], [sflag:$0x3] =	stream.indirect_vreg.gather [hbm4b:s6+s4], $0x80, v4, vm0, $0xb8;
	[tilespmem:$0x1C100] =	vst v63  }
0x32: {  	s19 =	simm.s32 $0x5100;
	v3 =	vadd.s32 v1, v3  }
0x33: {  	[tilespmem:s19], [sflag:$0x3] =	stream.indirect_vreg.gather [hbm4b:s7+s4], $0x80, v4, vm0, $0xb8;
	[tilespmem:$0x1C100] =	vst v63  }
0x34: {  	s20 =	simm.s32 $0x5900  }
0x35: {  	[tilespmem:s20], [sflag:$0x3] =	stream.indirect_vreg.gather [hbm4b:s8+s4], $0x80, v4, vm0, $0xb8;
	[tilespmem:$0x1C100] =	vst v63  }
0x36: {  	s21 =	simm.s32 $0x6100  }
0x37: {  	[tilespmem:s21], [sflag:$0x3] =	stream.indirect_vreg.gather [hbm4b:s1+s4], $0x80, v3, vm0, $0xb8;
	[tilespmem:$0x1C100] =	vst v63  }
0x38: {  	s22 =	simm.s32 $0x6900  }
0x39: {  	[tilespmem:s22], [sflag:$0x3] =	stream.indirect_vreg.gather [hbm4b:s6+s4], $0x80, v3, vm0, $0xb8;
	[tilespmem:$0x1C100] =	vst v63  }
0x3a: {  	s31 =	simm.s32 $0x7100  }
0x3b: {  	[tilespmem:s31], [sflag:$0x3] =	stream.indirect_vreg.gather [hbm4b:s7+s4], $0x80, v3, vm0, $0xb8;
	[tilespmem:$0x1C100] =	vst v63  }
0x3c: {  	s2 =	simm.s32 $0x7900  }
0x3d: {  	[tilespmem:s2], [sflag:$0x3] =	stream.indirect_vreg.gather [hbm4b:s8+s4], $0x80, v3, vm0, $0xb8;
	[tilespmem:$0x1C100] =	vst v63  }
0x3e: {  	v3 =	vld.msk [tilespmem:$0x20], $0xff;
	_ =	sdelay $0x4  }
0x3f: {  	v59 =	vshll.u32 v3, $0x3  }
0x40: {  	v3 =	vand.u32 $0x7, v3;
	v4 =	vand.u32 $0xFFFFFFC0, v59  }
0x41: {  	v3 =	vor.u32 v3, v4  }
0x42: {  	v3 =	vperm.xlane v3, v0;
	_ =	sdelay $0x1  }
0x43: {  	v3 =	vadd.s32 v1, v3;
	_ =	sdelay $0x3  }
0x44: {  	s15 =	simm.s32 $0x8100  }
0x45: {  	[tilespmem:s15], [sflag:$0x3] =	stream.indirect_vreg.gather [hbm4b:s1+s4], $0x80, v3, vm0, $0xb8;
	[tilespmem:$0x1C100] =	vst v63  }
0x46: {  	s16 =	simm.s32 $0x8900  }
0x47: {  	[tilespmem:s16], [sflag:$0x3] =	stream.indirect_vreg.gather [hbm4b:s6+s4], $0x80, v3, vm0, $0xb8;
	[tilespmem:$0x1C100] =	vst v63  }
0x48: {  	s17 =	simm.s32 $0x9100  }
0x49: {  	[tilespmem:s17], [sflag:$0x3] =	stream.indirect_vreg.gather [hbm4b:s7+s4], $0x80, v3, vm0, $0xb8;
	[tilespmem:$0x1C100] =	vst v63  }
0x4a: {  	s18 =	simm.s32 $0x9900  }
0x4b: {  	[tilespmem:s18], [sflag:$0x3] =	stream.indirect_vreg.gather [hbm4b:s8+s4], $0x80, v3, vm0, $0xb8;
	[tilespmem:$0x1C100] =	vst v63  }
0x4c: {  	v3 =	vld [tilespmem:$0x28];
	_ =	sdelay $0x4  }
0x4d: {  	v60 =	vshll.u32 v3, $0x3  }
0x4e: {  	v3 =	vand.u32 $0x7, v3;
	v4 =	vand.u32 $0xFFFFFFC0, v60  }
0x4f: {  	v3 =	vor.u32 v3, v4  }
0x50: {  	v4 =	vperm.xlane v3, v0;
	_ =	sdelay $0x1  }
0x51: {  	v4 =	vadd.s32 v1, v4;
	_ =	sdelay $0x3  }
0x52: {  	s19 =	simm.s32 $0xA100  }
0x53: {  	[tilespmem:s19], [sflag:$0x4] =	stream.indirect_vreg.gather [hbm4b:s1+s4], $0x80, v4, vm0, $0xb8;
	[tilespmem:$0x1C100] =	vst v63  }
0x54: {  	s20 =	simm.s32 $0xA900;
	v3 =	vperm.xlane v3, v2  }
0x55: {  	[tilespmem:s20], [sflag:$0x4] =	stream.indirect_vreg.gather [hbm4b:s6+s4], $0x80, v4, vm0, $0xb8;
	[tilespmem:$0x1C100] =	vst v63  }
0x56: {  	s21 =	simm.s32 $0xB100;
	v3 =	vadd.s32 v1, v3  }
0x57: {  	[tilespmem:s21], [sflag:$0x4] =	stream.indirect_vreg.gather [hbm4b:s7+s4], $0x80, v4, vm0, $0xb8;
	[tilespmem:$0x1C100] =	vst v63  }
0x58: {  	s22 =	simm.s32 $0xB900  }
0x59: {  	[tilespmem:s22], [sflag:$0x4] =	stream.indirect_vreg.gather [hbm4b:s8+s4], $0x80, v4, vm0, $0xb8;
	[tilespmem:$0x1C100] =	vst v63  }
0x5a: {  	s31 =	simm.s32 $0xC100  }
0x5b: {  	[tilespmem:s31], [sflag:$0x4] =	stream.indirect_vreg.gather [hbm4b:s1+s4], $0x80, v3, vm0, $0xb8;
	[tilespmem:$0x1C100] =	vst v63  }
0x5c: {  	s2 =	simm.s32 $0xC900  }
0x5d: {  	[tilespmem:s2], [sflag:$0x4] =	stream.indirect_vreg.gather [hbm4b:s6+s4], $0x80, v3, vm0, $0xb8;
	[tilespmem:$0x1C100] =	vst v63  }
0x5e: {  	s15 =	simm.s32 $0xD100  }
0x5f: {  	[tilespmem:s15], [sflag:$0x4] =	stream.indirect_vreg.gather [hbm4b:s7+s4], $0x80, v3, vm0, $0xb8;
	[tilespmem:$0x1C100] =	vst v63  }
0x60: {  	s16 =	simm.s32 $0xD900  }
0x61: {  	[tilespmem:s16], [sflag:$0x4] =	stream.indirect_vreg.gather [hbm4b:s8+s4], $0x80, v3, vm0, $0xb8;
	[tilespmem:$0x1C100] =	vst v63  }
0x62: {  	v3 =	vld.msk [tilespmem:$0x38], $0xff;
	_ =	sdelay $0x4  }
0x63: {  	v61 =	vshll.u32 v3, $0x3  }
0x64: {  	v3 =	vand.u32 $0x7, v3;
	v4 =	vand.u32 $0xFFFFFFC0, v61  }
0x65: {  	v3 =	vor.u32 v3, v4  }
0x66: {  	v3 =	vperm.xlane v3, v0;
	_ =	sdelay $0x1  }
0x67: {  	v3 =	vadd.s32 v1, v3;
	_ =	sdelay $0x3  }
0x68: {  	s17 =	simm.s32 $0xE100  }
0x69: {  	[tilespmem:s17], [sflag:$0x4] =	stream.indirect_vreg.gather [hbm4b:s1+s4], $0x80, v3, vm0, $0xb8;
	[tilespmem:$0x1C100] =	vst v63  }
0x6a: {  	s18 =	simm.s32 $0xE900  }
0x6b: {  	[tilespmem:s18], [sflag:$0x4] =	stream.indirect_vreg.gather [hbm4b:s6+s4], $0x80, v3, vm0, $0xb8;
	[tilespmem:$0x1C100] =	vst v63  }
0x6c: {  	s19 =	simm.s32 $0xF100  }
0x6d: {  	[tilespmem:s19], [sflag:$0x4] =	stream.indirect_vreg.gather [hbm4b:s7+s4], $0x80, v3, vm0, $0xb8;
	[tilespmem:$0x1C100] =	vst v63  }
0x6e: {  	s20 =	simm.s32 $0xF900  }
0x6f: {  	[tilespmem:s20], [sflag:$0x4] =	stream.indirect_vreg.gather [hbm4b:s8+s4], $0x80, v3, vm0, $0xb8;
	[tilespmem:$0x1C100] =	vst v63  }
0x70: {  	v3 =	vld [tilespmem:$0x40];
	_ =	sdelay $0x4  }
0x71: {  	v62 =	vshll.u32 v3, $0x3  }
0x72: {  	v3 =	vand.u32 $0x7, v3;
	v4 =	vand.u32 $0xFFFFFFC0, v62  }
0x73: {  	v3 =	vor.u32 v3, v4  }
0x74: {  	v4 =	vperm.xlane v3, v0;
	_ =	sdelay $0x1  }
0x75: {  	v4 =	vadd.s32 v1, v4;
	_ =	sdelay $0x3  }
0x76: {  	s21 =	simm.s32 $0x10100  }
0x77: {  	[tilespmem:s21], [sflag:$0x5] =	stream.indirect_vreg.gather [hbm4b:s1+s4], $0x80, v4, vm0, $0xb8;
	[tilespmem:$0x1C100] =	vst v63  }
0x78: {  	s22 =	simm.s32 $0x10900;
	v3 =	vperm.xlane v3, v2  }
0x79: {  	[tilespmem:s22], [sflag:$0x5] =	stream.indirect_vreg.gather [hbm4b:s6+s4], $0x80, v4, vm0, $0xb8;
	[tilespmem:$0x1C100] =	vst v63  }
0x7a: {  	s31 =	simm.s32 $0x11100;
	v3 =	vadd.s32 v1, v3  }
0x7b: {  	[tilespmem:s31], [sflag:$0x5] =	stream.indirect_vreg.gather [hbm4b:s7+s4], $0x80, v4, vm0, $0xb8;
	[tilespmem:$0x1C100] =	vst v63  }
0x7c: {  	s2 =	simm.s32 $0x11900  }
0x7d: {  	[tilespmem:s2], [sflag:$0x5] =	stream.indirect_vreg.gather [hbm4b:s8+s4], $0x80, v4, vm0, $0xb8;
	[tilespmem:$0x1C100] =	vst v63  }
0x7e: {  	s15 =	simm.s32 $0x12100  }
0x7f: {  	[tilespmem:s15], [sflag:$0x5] =	stream.indirect_vreg.gather [hbm4b:s1+s4], $0x80, v3, vm0, $0xb8;
	[tilespmem:$0x1C100] =	vst v63  }
0x80: {  	s16 =	simm.s32 $0x12900  }
0x81: {  	[tilespmem:s16], [sflag:$0x5] =	stream.indirect_vreg.gather [hbm4b:s6+s4], $0x80, v3, vm0, $0xb8;
	[tilespmem:$0x1C100] =	vst v63  }
0x82: {  	s17 =	simm.s32 $0x13100  }
0x83: {  	[tilespmem:s17], [sflag:$0x5] =	stream.indirect_vreg.gather [hbm4b:s7+s4], $0x80, v3, vm0, $0xb8;
	[tilespmem:$0x1C100] =	vst v63  }
0x84: {  	s18 =	simm.s32 $0x13900  }
0x85: {  	[tilespmem:s18], [sflag:$0x5] =	stream.indirect_vreg.gather [hbm4b:s8+s4], $0x80, v3, vm0, $0xb8;
	[tilespmem:$0x1C100] =	vst v63  }
0x86: {  	v3 =	vld.msk [tilespmem:$0x50], $0xff;
	_ =	sdelay $0x4  }
0x87: {  	v63 =	vshll.u32 v3, $0x3  }
0x88: {  	v3 =	vand.u32 $0x7, v3;
	v4 =	vand.u32 $0xFFFFFFC0, v63  }
0x89: {  	v3 =	vor.u32 v3, v4  }
0x8a: {  	v3 =	vperm.xlane v3, v0;
	_ =	sdelay $0x1  }
0x8b: {  	v3 =	vadd.s32 v1, v3;
	_ =	sdelay $0x3  }
0x8c: {  	s19 =	simm.s32 $0x14100  }
0x8d: {  	[tilespmem:s19], [sflag:$0x5] =	stream.indirect_vreg.gather [hbm4b:s1+s4], $0x80, v3, vm0, $0xb8;
	[tilespmem:$0x1C100] =	vst v63  }
0x8e: {  	s20 =	simm.s32 $0x14900  }
0x8f: {  	[tilespmem:s20], [sflag:$0x5] =	stream.indirect_vreg.gather [hbm4b:s6+s4], $0x80, v3, vm0, $0xb8;
	[tilespmem:$0x1C100] =	vst v63  }
0x90: {  	s21 =	simm.s32 $0x15100  }
0x91: {  	[tilespmem:s21], [sflag:$0x5] =	stream.indirect_vreg.gather [hbm4b:s7+s4], $0x80, v3, vm0, $0xb8;
	[tilespmem:$0x1C100] =	vst v63  }
0x92: {  	s22 =	simm.s32 $0x15900  }
0x93: {  	[tilespmem:s22], [sflag:$0x5] =	stream.indirect_vreg.gather [hbm4b:s8+s4], $0x80, v3, vm0, $0xb8;
	[tilespmem:$0x1C100] =	vst v63  }
0x94: {  	s31 =	simm.s32 $0x80  }
0x95: {  	[tilespmem:s31], [sflag:$0xB] =	stream.linear.gather [hbm4b:s9+s4], $0x80, $0x38;
	[tilespmem:$0x1C100] =	vst v63  }
0x96: {  	_ =	swait.ge [sflag:s13], $0x80  }
0x97: {  	[sflag:s13] =	ssyncset.done $0x0  }
0x98: {  	[sflag:s13] =	ssyncadd.s32 $0xFFFFFF80  }
0x99: {  	_ =	swait.ge [sflag:s23], $0x4000  }
0x9a: {  	s0 =	simm.s32 $0x0;
	[sflag:s23] =	ssyncset.done $0x0  }
0x9b: {  	s2 =	simm.s32 $0x0;
	s15 =	simm.s32 $0x0;
	[sflag:s23] =	ssyncadd.s32 $0xFFFFC000  }
.LBB2_2:
0x9c: {  	s16 =	sshll.u32 s2, $0x2;
	s17 =	sand.u32 $0x7, s0  }
0x9d: {  	s16 =	sand.u32 $0xFFFF8000, s16;
	s17 =	sshll.u32 s17, $0x9  }
0x9e: {  	s16 =	sor.u32 s17, s16  }
0x9f: {  	s16 =	sshrl.u32 s16, $0x2  }
0xa0: {  	s16 =	sadd.s32 $0x140, s16  }
0xa1: {  	v5 =	vld [tilespmem:s16+$0x30]  }
0xa2: {  	v7 =	vld [tilespmem:s16+$0xFFFFFFD0]  }
0xa3: {  	v9 =	vld [tilespmem:s16+$0xFFFFFFE0]  }
0xa4: {  	v6 =	vld [tilespmem:s16+$0xFFFFFFF0]  }
0xa5: {  	v4 =	vld [tilespmem:s16+$0x0]  }
0xa6: {  	v3 =	vld [tilespmem:s16+$0x10];
	v10 =	vmul.f32 $3.200000000e+01, v5  }
0xa7: {  	v5 =	vld [tilespmem:s16+$0x20];
	v8 =	vmul.f32 $3.200000000e+01, v7  }
0xa8: {  	s17 =	simm.s32 $0x0;
	s18 =	sadd.s32 $0x400, s16;
	v7 =	vld [tilespmem:s16+$0xFFFFFFC0];
	v9 =	vmul.f32 $3.200000000e+01, v9;
	[tilespmem:s16+$0x30] =	vst v10  }
.LBB2_3:
0xa9: {  	v10 =	vld [tilespmem:s18+$0x30];
	s17 =	sadd.s32 $0x80, s17;
	[tilespmem:s16+$0xFFFFFFD0] =	vst v8;
	v6 =	vmul.f32 $3.200000000e+01, v6  }
0xaa: {  	v8 =	vld [tilespmem:s18+$0xFFFFFFD0];
	p0 =	slt.u32 s17, $0x380;
	[tilespmem:s16+$0xFFFFFFE0] =	vst v9;
	v4 =	vmul.f32 $3.200000000e+01, v4  }
0xab: {  	v9 =	vld [tilespmem:s18+$0xFFFFFFE0];
	[tilespmem:s16+$0xFFFFFFF0] =	vst v6;
	v3 =	vmul.f32 $3.200000000e+01, v3  }
.Ltmp0:
0xac: {  	v6 =	vld [tilespmem:s18+$0xFFFFFFF0];
	[tilespmem:s16+$0x0] =	vst v4;
	v5 =	vmul.f32 $3.200000000e+01, v5;
	(pc) =	sbr.rel @p0 .LBB2_3-.Ltmp0, $4  }
0xad: {  	v4 =	vld [tilespmem:s18+$0x0];
	v7 =	vmul.f32 $3.200000000e+01, v7;
	[tilespmem:s16+$0x10] =	vst v3  }
0xae: {  	v3 =	vld [tilespmem:s18+$0x10];
	v10 =	vmul.f32 $3.200000000e+01, v10;
	[tilespmem:s16+$0x20] =	vst v5  }
0xaf: {  	v8 =	vmul.f32 $3.200000000e+01, v8;
	v5 =	vld [tilespmem:s18+$0x20];
	[tilespmem:s16+$0xFFFFFFC0] =	vst v7;
	s16 =	smov.u32 s18  }
0xb0: {  	s18 =	sadd.s32 $0x400, s18;
	v7 =	vld [tilespmem:s16+$0xFFFFFFC0];
	v9 =	vmul.f32 $3.200000000e+01, v9;
	[tilespmem:s16+$0x30] =	vst v10  }
0xb1: {  	[tilespmem:s16+$0xFFFFFFD0] =	vst v8;
	v6 =	vmul.f32 $3.200000000e+01, v6;
	s15 =	sadd.s32 $0x1, s15  }
0xb2: {  	[tilespmem:s16+$0xFFFFFFE0] =	vst v9;
	v4 =	vmul.f32 $3.200000000e+01, v4;
	p0 =	sne.s32 s15, $0x10  }
.Ltmp1:
0xb3: {  	[tilespmem:s16+$0xFFFFFFF0] =	vst v6;
	v3 =	vmul.f32 $3.200000000e+01, v3;
	(pc) =	sbr.rel @p0 .LBB2_2-.Ltmp1, $4  }
0xb4: {  	[tilespmem:s16+$0x0] =	vst v4;
	v62 =	vmul.f32 $3.200000000e+01, v5  }
0xb5: {  	v63 =	vmul.f32 $3.200000000e+01, v7;
	[tilespmem:s16+$0x10] =	vst v3  }
0xb6: {  	[tilespmem:s16+$0x20] =	vst v62  }
0xb7: {  	s2 =	sadd.s32 $0x400, s2;
	s0 =	sadd.s32 $0x1, s0;
	[tilespmem:s16+$0xFFFFFFC0] =	vst v63  }
0xb8: {  	s31 =	simm.s32 $0x0;
	s2 =	simm.s32 $0x0  }
0xb9: {  	[hbm4b:s10+s31] =	stream.linear.scatter [tilespmem:s14], [sflag:$0x2], $0x4000, $0x38;
	[tilespmem:$0x1C100] =	vst v63  }
.LBB2_6:
0xba: {  	s0 =	sadd.s32 $0xFFFFFFFF, s2  }
0xbb: {  	p0 =	sgt.u32 s0, $0x5  }
.Ltmp2:
0xbc: {  	_ = 	snop;
	(pc) =	sbr.rel @p0 .LBB2_8-.Ltmp2, $3  }
0xbd: {  	_ =	sdelay $0x1  }
0xbe: {  	s15 =	sadd.s32 $0x3, s2  }
0xbf: {  	s0 =	sand.u32 $0x3, s15  }
.Ltmp3:
0xc0: {  	(pc) =	sbr.rel .LBB2_9-.Ltmp3, $4  }
0xc1: {  	s16 =	sadd.s32 $0x7, s0  }
0xc2: {  	_ =	swait.ge [sflag:s16], $0x6000  }
0xc3: {  	[sflag:s16] =	ssyncset.done $0x0  }
0xc4: {  	[sflag:s16] =	ssyncadd.s32 $0xFFFFA000  }
.LBB2_8:
0xc5: {  	p0 =	sgt.u32 s2, $0x6  }
.Ltmp4:
0xc6: {  	_ = 	snop;
	(pc) =	sbr.rel @p0 .LBB2_10-.Ltmp4, $1  }
0xc7: {  	_ =	sdelay $0x3  }
.LBB2_9:
0xc8: {  	s15 =	smul.u32 $0x60, s15;
	_ =	sdelay $0x1  }
0xc9: {  	s15 =	sshra.s32 s15, $0x2  }
0xca: {  	v3 =	vld [tilespmem:s15+$0x10];
	_ =	sdelay $0x4  }
0xcb: {  	v4 =	vshll.u32 v3, $0x3  }
0xcc: {  	v3 =	vand.u32 $0x7, v3;
	v4 =	vand.u32 $0xFFFFFFC0, v4  }
0xcd: {  	v3 =	vor.u32 v3, v4  }
0xce: {  	v4 =	vperm.xlane v3, v0;
	_ =	sdelay $0x1  }
0xcf: {  	v4 =	vadd.s32 v1, v4  }
0xd0: {  	s16 =	smul.u32 $0x18000, s0;
	_ =	sdelay $0x1  }
0xd1: {  	s16 =	sshrl.u32 s16, $0x2  }
0xd2: {  	s0 =	sadd.s32 $0x3, s0;
	s17 =	sadd.s32 $0x4100, s16  }
0xd3: {  	[tilespmem:s17], [sflag:s0] =	stream.indirect_vreg.gather [hbm4b:s1+s4], $0x80, v4, vm0, $0xb8;
	[tilespmem:$0x1C100] =	vst v63  }
0xd4: {  	s22 =	sadd.s32 $0x4900, s16;
	v3 =	vperm.xlane v3, v2  }
0xd5: {  	[tilespmem:s22], [sflag:s0] =	stream.indirect_vreg.gather [hbm4b:s6+s4], $0x80, v4, vm0, $0xb8;
	[tilespmem:$0x1C100] =	vst v63  }
0xd6: {  	s18 =	sadd.s32 $0x5100, s16;
	v3 =	vadd.s32 v1, v3  }
0xd7: {  	[tilespmem:s18], [sflag:s0] =	stream.indirect_vreg.gather [hbm4b:s7+s4], $0x80, v4, vm0, $0xb8;
	[tilespmem:$0x1C100] =	vst v63  }
0xd8: {  	s19 =	sadd.s32 $0x5900, s16  }
0xd9: {  	[tilespmem:s19], [sflag:s0] =	stream.indirect_vreg.gather [hbm4b:s8+s4], $0x80, v4, vm0, $0xb8;
	[tilespmem:$0x1C100] =	vst v63  }
0xda: {  	s20 =	sadd.s32 $0x6100, s16  }
0xdb: {  	[tilespmem:s20], [sflag:s0] =	stream.indirect_vreg.gather [hbm4b:s1+s4], $0x80, v3, vm0, $0xb8;
	[tilespmem:$0x1C100] =	vst v63  }
0xdc: {  	s21 =	sadd.s32 $0x6900, s16  }
0xdd: {  	[tilespmem:s21], [sflag:s0] =	stream.indirect_vreg.gather [hbm4b:s6+s4], $0x80, v3, vm0, $0xb8;
	[tilespmem:$0x1C100] =	vst v63  }
0xde: {  	s22 =	sadd.s32 $0x7100, s16  }
0xdf: {  	[tilespmem:s22], [sflag:s0] =	stream.indirect_vreg.gather [hbm4b:s7+s4], $0x80, v3, vm0, $0xb8;
	[tilespmem:$0x1C100] =	vst v63  }
0xe0: {  	s18 =	sadd.s32 $0x7900, s16  }
0xe1: {  	[tilespmem:s18], [sflag:s0] =	stream.indirect_vreg.gather [hbm4b:s8+s4], $0x80, v3, vm0, $0xb8;
	[tilespmem:$0x1C100] =	vst v63  }
0xe2: {  	v3 =	vld.msk [tilespmem:s15+$0x20], $0xff;
	_ =	sdelay $0x4  }
0xe3: {  	v63 =	vshll.u32 v3, $0x3  }
0xe4: {  	v3 =	vand.u32 $0x7, v3;
	v4 =	vand.u32 $0xFFFFFFC0, v63  }
0xe5: {  	v3 =	vor.u32 v3, v4  }
0xe6: {  	v3 =	vperm.xlane v3, v0;
	_ =	sdelay $0x1  }
0xe7: {  	v3 =	vadd.s32 v1, v3;
	_ =	sdelay $0x3  }
0xe8: {  	s19 =	sadd.s32 $0x8100, s16  }
0xe9: {  	[tilespmem:s19], [sflag:s0] =	stream.indirect_vreg.gather [hbm4b:s1+s4], $0x80, v3, vm0, $0xb8;
	[tilespmem:$0x1C100] =	vst v63  }
0xea: {  	s20 =	sadd.s32 $0x8900, s16  }
0xeb: {  	[tilespmem:s20], [sflag:s0] =	stream.indirect_vreg.gather [hbm4b:s6+s4], $0x80, v3, vm0, $0xb8;
	[tilespmem:$0x1C100] =	vst v63  }
0xec: {  	s21 =	sadd.s32 $0x9100, s16  }
0xed: {  	[tilespmem:s21], [sflag:s0] =	stream.indirect_vreg.gather [hbm4b:s7+s4], $0x80, v3, vm0, $0xb8;
	[tilespmem:$0x1C100] =	vst v63  }
0xee: {  	s22 =	sadd.s32 $0x9900, s16  }
0xef: {  	[tilespmem:s22], [sflag:s0] =	stream.indirect_vreg.gather [hbm4b:s8+s4], $0x80, v3, vm0, $0xb8;
	[tilespmem:$0x1C100] =	vst v63  }
.LBB2_10:
0xf0: {  	s0 =	sand.u32 $0x3, s31  }
0xf1: {  	s15 =	smul.u32 $0x18000, s0;
	s0 =	sand.u32 $0x3, s2  }
0xf2: {  	s16 =	sadd.s32 $0x3, s0;
	s17 =	smul.u32 $0x18000, s0  }
0xf3: {  	_ =	swait.ge [sflag:s16], $0x6000  }
0xf4: {  	s19 =	simm.s32 $0x0;
	[sflag:s16] =	ssyncset.done $0x0;
	s17 =	sshrl.u32 s17, $0x2  }
0xf5: {  	s18 =	sshrl.u32 s15, $0x2;
	[sflag:s16] =	ssyncadd.s32 $0xFFFFA000;
	s15 =	sadd.s32 $0x4100, s17  }
0xf6: {  	s16 =	sadd.s32 $0x4140, s18;
	s17 =	simm.s32 $0x0;
	s18 =	simm.s32 $0x0  }
.LBB2_11:
0xf7: {  	s20 =	sshll.u32 s18, $0x2;
	s21 =	sand.u32 $0x7, s17  }
0xf8: {  	s20 =	sand.u32 $0xFFFF8000, s20;
	s21 =	sshll.u32 s21, $0x9  }
0xf9: {  	s20 =	sor.u32 s21, s20  }
0xfa: {  	s20 =	sshrl.u32 s20, $0x2  }
0xfb: {  	s20 =	sadd.s32 s20, s16  }
0xfc: {  	v5 =	vld [tilespmem:s20+$0x30]  }
0xfd: {  	v7 =	vld [tilespmem:s20+$0xFFFFFFD0]  }
0xfe: {  	v9 =	vld [tilespmem:s20+$0xFFFFFFE0]  }
0xff: {  	v6 =	vld [tilespmem:s20+$0xFFFFFFF0]  }
0x100: {  	v4 =	vld [tilespmem:s20+$0x0]  }
0x101: {  	v3 =	vld [tilespmem:s20+$0x10];
	v10 =	vmul.f32 $3.200000000e+01, v5  }
0x102: {  	v5 =	vld [tilespmem:s20+$0x20];
	v8 =	vmul.f32 $3.200000000e+01, v7  }
0x103: {  	s21 =	simm.s32 $0x0;
	s22 =	sadd.s32 $0x400, s20;
	v7 =	vld [tilespmem:s20+$0xFFFFFFC0];
	v9 =	vmul.f32 $3.200000000e+01, v9;
	[tilespmem:s20+$0x30] =	vst v10  }
.LBB2_12:
0x104: {  	v10 =	vld [tilespmem:s22+$0x30];
	s21 =	sadd.s32 $0x80, s21;
	[tilespmem:s20+$0xFFFFFFD0] =	vst v8;
	v6 =	vmul.f32 $3.200000000e+01, v6  }
0x105: {  	v8 =	vld [tilespmem:s22+$0xFFFFFFD0];
	p0 =	slt.u32 s21, $0x380;
	[tilespmem:s20+$0xFFFFFFE0] =	vst v9;
	v4 =	vmul.f32 $3.200000000e+01, v4  }
0x106: {  	v9 =	vld [tilespmem:s22+$0xFFFFFFE0];
	[tilespmem:s20+$0xFFFFFFF0] =	vst v6;
	v3 =	vmul.f32 $3.200000000e+01, v3  }
.Ltmp5:
0x107: {  	v6 =	vld [tilespmem:s22+$0xFFFFFFF0];
	[tilespmem:s20+$0x0] =	vst v4;
	v5 =	vmul.f32 $3.200000000e+01, v5;
	(pc) =	sbr.rel @p0 .LBB2_12-.Ltmp5, $4  }
0x108: {  	v4 =	vld [tilespmem:s22+$0x0];
	v7 =	vmul.f32 $3.200000000e+01, v7;
	[tilespmem:s20+$0x10] =	vst v3  }
0x109: {  	v3 =	vld [tilespmem:s22+$0x10];
	v10 =	vmul.f32 $3.200000000e+01, v10;
	[tilespmem:s20+$0x20] =	vst v5  }
0x10a: {  	v8 =	vmul.f32 $3.200000000e+01, v8;
	v5 =	vld [tilespmem:s22+$0x20];
	[tilespmem:s20+$0xFFFFFFC0] =	vst v7;
	s20 =	smov.u32 s22  }
0x10b: {  	s22 =	sadd.s32 $0x400, s22;
	v7 =	vld [tilespmem:s20+$0xFFFFFFC0];
	v9 =	vmul.f32 $3.200000000e+01, v9;
	[tilespmem:s20+$0x30] =	vst v10  }
0x10c: {  	[tilespmem:s20+$0xFFFFFFD0] =	vst v8;
	v6 =	vmul.f32 $3.200000000e+01, v6;
	s19 =	sadd.s32 $0x1, s19  }
0x10d: {  	[tilespmem:s20+$0xFFFFFFE0] =	vst v9;
	v4 =	vmul.f32 $3.200000000e+01, v4;
	p0 =	sne.s32 s19, $0x18  }
.Ltmp6:
0x10e: {  	[tilespmem:s20+$0xFFFFFFF0] =	vst v6;
	v3 =	vmul.f32 $3.200000000e+01, v3;
	(pc) =	sbr.rel @p0 .LBB2_11-.Ltmp6, $4  }
0x10f: {  	[tilespmem:s20+$0x0] =	vst v4;
	v62 =	vmul.f32 $3.200000000e+01, v5  }
0x110: {  	v63 =	vmul.f32 $3.200000000e+01, v7;
	[tilespmem:s20+$0x10] =	vst v3  }
0x111: {  	[tilespmem:s20+$0x20] =	vst v62  }
0x112: {  	s18 =	sadd.s32 $0x400, s18;
	s17 =	sadd.s32 $0x1, s17;
	[tilespmem:s20+$0xFFFFFFC0] =	vst v63  }
0x113: {  	s16 =	smul.u32 $0x18, s2;
	s2 =	sadd.s32 $0x1, s2  }
0x114: {  	p0 =	sne.s32 s2, $0xA  }
.Ltmp7:
0x115: {  	_ = 	snop;
	(pc) =	sbr.rel @p0 .LBB2_6-.Ltmp7, $4  }
0x116: {  	s16 =	sadd.s32 s16, s11  }
0x117: {  	s16 =	sshll.u32 s16, $0x7  }
0x118: {  	s0 =	sadd.s32 $0x7, s0;
	s31 =	sadd.s32 $0x1, s31;
	s16 =	sadd.s32 s3, s16  }
0x119: {  	[hbm4b:s16+s4] =	stream.linear.scatter [tilespmem:s15], [sflag:s0], $0x6000, $0x38;
	[tilespmem:$0x1C100] =	vst v63  }
0x11a: {  	_ =	swait.ge [sflag:s24], $0x4000  }
0x11b: {  	[sflag:s24] =	ssyncset.done $0x0  }
0x11c: {  	[sflag:s24] =	ssyncadd.s32 $0xFFFFC000  }
0x11d: {  	_ =	swait.ge [sflag:s25], $0x6000  }
0x11e: {  	[sflag:s25] =	ssyncset.done $0x0  }
0x11f: {  	[sflag:s25] =	ssyncadd.s32 $0xFFFFA000  }
0x120: {  	_ =	swait.ge [sflag:s26], $0x6000  }
0x121: {  	[sflag:s26] =	ssyncset.done $0x0  }
0x122: {  	s30 =	sadd.s32 $0x1, s30;
	[sflag:s26] =	ssyncadd.s32 $0xFFFFA000  }
0x123: {  	p0 =	sne.s32 s30, s12;
	_ =	swait.ge [sflag:s28], $0x6000  }
.Ltmp8:
0x124: {  	[sflag:s28] =	ssyncset.done $0x0;
	(pc) =	sbr.rel @p0 .LBB2_1-.Ltmp8, $4  }
0x125: {  	[sflag:s28] =	ssyncadd.s32 $0xFFFFA000  }
0x126: {  	_ =	swait.ge [sflag:s29], $0x6000  }
0x127: {  	[sflag:s29] =	ssyncset.done $0x0  }
0x128: {  	[sflag:s29] =	ssyncadd.s32 $0xFFFFA000  }
0x129: {  	_ =	sfence.sel $0x180000  }
0x12a: {  	[bflag:$0x0] =	sbarrier.arrive $0xFFFF  }
0x12b: {  	_ =	strace $0x90000047  }
0x12c: {  	s0 =	stileid.u32;
	[bflag:$0x2] =	sbarrier.arrive $0xFFFF  }
0x12d: {  	p0 =	sne.s32 s0, $0x0;
	s0 =	rddreg [dreg:$0x3]  }
0x12e: {  	s0 =	sadd.s32 @!p0 $0x100000, s0  }
0x12f: {  	[sflag:s0] =	ssyncadd.tile.s32 @!p0 $0x1;
	_ =	shalt  }
.Lfunc_end2:
_tile_overlayer_lowered:
.L_overlay_start_2:
0x130: {  	(tag) =	ssettag $0x2  }
0x131: {  	s0 =	rddreg [dreg:$0x0];
	s2 =	stileid.u32  }
0x132: {  	s1 =	rddreg [dreg:$0x1];
	p0 =	sne.s32 s2, $0x0  }
0x133: {  	s3 =	rddreg [dreg:$0x2];
	[bflag:$0x3] =	sbarrier.arrive $0xFFFF;
	s2 =	simm.s32 @!p0 $0x1C0B  }
0x134: {  	[timem:s3], [sflag:s2] =	dma.local @!p0 [hbm:s0], s1  }
0x135: {  	s0 =	simm.s32 @!p0 $0xB  }
0x136: {  	_ =	swait.ge @!p0 [sflag:s0], s1  }
0x137: {  	s1 =	ssub.s32 @!p0 $0x0, s1;
	[sflag:s0] =	ssyncset.done @!p0 $0x0  }
0x138: {  	[sflag:s0] =	ssyncadd.s32 @!p0 s1  }
0x139: {  	[bflag:$0x3] =	sbarrier.arrive $0xFFFF  }
0x13a: {  	_ =	shalt  }

</sc_bundles>
